<compile_context>
chip_gen: v7x
topology: tpu7x:2x2x1
jax: 0.10.2.dev20260603
libtpu: 0.0.44.dev20260713+nightly
codegen_flags: <defaults>
</compile_context>

<pallas_src>
import functools

import jax
import jax.numpy as jnp
import numpy as np
from jax import lax
from jax.experimental import pallas as pl
from jax.experimental.pallas import tpu as pltpu
from jax.experimental.pallas import tpu_sc as plsc

_SIZE = 129
_MARGIN = 3
_Z = _SIZE + 2 * _MARGIN
_Y = _SIZE + 2 * _MARGIN
_X = _SIZE // 2 + 1 + _MARGIN
_NROW = _Z * _Y
_ROWF = 2 * _X

_ORS = 256
_RPG = 32
_NWORK = 32
_CHU = 2096
_CHB = 2176
_OBUF = _RPG * _ORS
_MSTRIDE = 72
_BLK = 8192


@functools.lru_cache(maxsize=None)
def _scatter_meta():
    bz, bz2, m = _SIZE, _SIZE // 2, _MARGIN
    ls = np.arange(bz) - bz2
    zz, yy, xx = np.meshgrid(ls, ls, np.arange(bz2 + 1), indexing="ij")
    mask = (zz**2 + yy**2 + xx**2) <= bz2**2
    cnt_in = mask.sum(axis=2)
    cnt = np.zeros((_Z, _Y), np.int64)
    cnt[m:m + bz, m:m + bz] = cnt_in
    flat_cnt = cnt.ravel()
    starts = np.concatenate([[0], np.cumsum(flat_cnt)])[:-1]
    wc = int(flat_cnt.sum())
    valid = np.zeros((_Z, _Y, _X), bool)
    valid[m:m + bz, m:m + bz, :bz2 + 1] = mask
    nblk = (wc + 8 + _BLK - 1) // _BLK
    wcp = nblk * _BLK

    ng = (_NROW + _RPG - 1) // _RPG
    keep = []
    for g in range(ng):
        orow0 = g * _RPG
        if flat_cnt[orow0:min(orow0 + _RPG, _NROW)].any():
            keep.append(orow0)
    assert keep[-1] + _RPG <= _NROW
    gpw = (len(keep) + _NWORK - 1) // _NWORK
    gpw += gpw % 2
    ngp = gpw * _NWORK
    keep += [keep[-1]] * (ngp - len(keep))
    meta = np.zeros((ngp, _MSTRIDE), np.int32)
    for g, orow0 in enumerate(keep):
        rows = np.arange(orow0, orow0 + _RPG)
        s = starts[rows]
        c = flat_cnt[rows]
        nz = c > 0
        first = int(s[nz][0]) if nz.any() else 0
        base = (first // 8) * 8
        base = max(0, min(base, ((wcp - _CHU) // 8) * 8))
        rl = np.where(nz, s - base, 0)
        assert (rl >= 0).all() and int(rl.max()) + 80 <= _CHB, (g, rl.max())
        assert int((rl + c).max()) <= _CHU, (g, (rl + c).max())
        assert base + _CHU <= wcp
        meta[g, 0] = base
        meta[g, 1] = orow0 * _ORS
        meta[g, 2:2 + _RPG] = rl
        meta[g, 2 + _RPG:2 + 2 * _RPG] = c
    return wc, wcp, gpw, np.ascontiguousarray(meta.ravel()), valid


def _tc_linear(w3, m1, bt, wcp):
    nblk = wcp // _BLK

    def body(m_ref, w_ref, b_ref, o0_ref, o1_ref):
        o0 = b_ref[0, :]
        o1 = b_ref[1, :]
        for k in range(16):
            o0 = o0 + w_ref[k, 0, :] * m_ref[0, k]
            o1 = o1 + w_ref[k, 1, :] * m_ref[0, k]
        o0_ref[...] = o0
        o1_ref[...] = o1

    return pl.pallas_call(
        body,
        grid=(nblk,),
        in_specs=[
            pl.BlockSpec((1, 16), lambda i: (0, 0)),
            pl.BlockSpec((16, 2, _BLK), lambda i: (0, 0, i)),
            pl.BlockSpec((2, _BLK), lambda i: (0, i)),
        ],
        out_specs=[
            pl.BlockSpec((_BLK,), lambda i: (i,)),
            pl.BlockSpec((_BLK,), lambda i: (i,)),
        ],
        out_shape=[
            jax.ShapeDtypeStruct((wcp,), jnp.float32),
            jax.ShapeDtypeStruct((wcp,), jnp.float32),
        ],
    )(m1, w3, bt)


def _sc_scatter(v0, v1, meta, gpw):
    outf = _NROW * _ORS
    mw = gpw * _MSTRIDE
    mesh = plsc.VectorSubcoreMesh(core_axis_name="c", subcore_axis_name="s")

    @functools.partial(
        pl.kernel,
        out_type=jax.ShapeDtypeStruct((outf,), jnp.float32),
        mesh=mesh,
        compiler_params=pltpu.CompilerParams(needs_layout_passes=False),
        scratch_types=[
            pltpu.VMEM((_CHB,), jnp.float32),
            pltpu.VMEM((_CHB,), jnp.float32),
            pltpu.VMEM((_CHB,), jnp.float32),
            pltpu.VMEM((_CHB,), jnp.float32),
            pltpu.VMEM((mw + 64,), jnp.int32),
            pltpu.VMEM((_OBUF,), jnp.float32),
            pltpu.VMEM((_OBUF,), jnp.float32),
            pltpu.SemaphoreType.DMA,
            pltpu.SemaphoreType.DMA,
            pltpu.SemaphoreType.DMA,
            pltpu.SemaphoreType.DMA,
        ],
    )
    def k(v0_hbm, v1_hbm, meta_hbm, out_hbm, ch0a, ch0b, ch1a, ch1b,
          meta_v, obufa, obufb, csem0, csem1, osem0, osem1):
        ch0 = (ch0a, ch0b)
        ch1 = (ch1a, ch1b)
        obuf = (obufa, obufb)
        cid = lax.axis_index("c")
        sid = lax.axis_index("s")
        w = sid * 2 + cid
        moff = pl.multiple_of(w * mw, 8)
        pltpu.sync_copy(meta_hbm.at[pl.ds(moff, mw)], meta_v.at[pl.ds(0, mw)])
        lanes = lax.iota(jnp.int32, 16)
        csem = (csem0, csem1)
        osem = (osem0, osem1)
        gsz = _RPG * _ORS

        def chunk_base(g):
            return pl.multiple_of(meta_v[pl.ds(g * _MSTRIDE, 16)][0], 8)

        def start_chunks(g, b):
            base = chunk_base(g)
            pltpu.async_copy(
                v0_hbm.at[pl.ds(base, _CHU)], ch0[b].at[pl.ds(0, _CHU)], csem[b])
            pltpu.async_copy(
                v1_hbm.at[pl.ds(base, _CHU)], ch1[b].at[pl.ds(0, _CHU)], csem[b])

        def wait_chunks(b):
            for chx in (ch0, ch1):
                pltpu.make_async_copy(
                    v0_hbm.at[pl.ds(0, _CHU)], chx[b].at[pl.ds(0, _CHU)],
                    csem[b]).wait()

        def wait_out(b):
            pltpu.make_async_copy(
                obuf[b].at[pl.ds(0, gsz)], out_hbm.at[pl.ds(0, gsz)],
                osem[b]).wait()

        start_chunks(0, 0)
        start_chunks(1, 1)

        def pair_body(t, carry):
            for b in (0, 1):
                g = 2 * t + b
                mo = g * _MSTRIDE
                wait_chunks(b)

                @pl.when(g >= 2)
                def _():
                    wait_out(b)

                def row_body(r, carry2):
                    rl = meta_v[pl.ds(mo + 2 + r, 16)][0]
                    rc = meta_v[pl.ds(mo + 2 + _RPG + r, 16)][0]
                    ob = r * _ORS
                    for seg, ch in ((0, ch0), (128, ch1)):
                        for x0 in (0, 16, 32, 48, 64):
                            x = lanes + x0
                            a = jnp.where(
                                x < rc, ch[b][pl.ds(rl + x0, 16)], 0.0)
                            obuf[b][pl.ds(ob + seg + x0, 16)] = a
                    return carry2

                lax.fori_loop(0, _RPG, row_body, 0)

                @pl.when(g + 2 < gpw)
                def _():
                    start_chunks(g + 2, b)

                outoff = pl.multiple_of(meta_v[pl.ds(mo, 16)][1], 8)
                pltpu.async_copy(
                    obuf[b].at[pl.ds(0, gsz)],
                    out_hbm.at[pl.ds(outoff, gsz)], osem[b])
            return carry

        lax.fori_loop(0, gpw // 2, pair_body, 0)
        wait_out(0)
        wait_out(1)

    return k(v0, v1, meta)


def kernel(input, weight, bias, grid3d_index):
    wc, wcp, gpw, meta_np, valid_np = _scatter_meta()
    w3 = weight.transpose(1, 2, 0)
    bt = bias.T
    m1 = input[None, :]
    v0, v1 = _tc_linear(w3, m1, bt, wcp)
    outf = _sc_scatter(v0, v1, jnp.asarray(meta_np), gpw)
    out4d = outf.reshape(_Z, _Y, 2, 128)[:, :, :, :_X].transpose(0, 1, 3, 2)
    return jnp.where(jnp.asarray(valid_np)[..., None], out4d, 0.0)

# --- scband reference (transcript-rebuilt; emitter-appended) ---
"""Pipeline reference for scband-sparse-volume-reconstruction-linear-3496103379278 (READ-ONLY COPY).

The authoritative reference and input builder live on the scoring server;
editing this copy changes nothing except your own understanding.
"""

import jax, jax.numpy as jnp
import numpy as np

SIZE = 129          # size=128 bumped to odd by the module
MARGIN = 3          # VOXEL_SPREAD_MARGIN
INPUT_SIZE = 16


def _build_grid():
    bz = SIZE
    bz2 = bz // 2
    ls = np.arange(bz) - bz2
    zz, yy, xx = np.meshgrid(ls, ls, np.arange(bz2 + 1), indexing='ij')
    mask = (zz ** 2 + yy ** 2 + xx ** 2) <= bz2 ** 2
    idx = np.cumsum(mask.ravel()).reshape(mask.shape) - 1
    grid = np.where(mask, idx, -1).astype(np.int64)
    m = MARGIN
    grid_m = -np.ones((bz + 2 * m, bz + 2 * m, bz2 + 1 + m), dtype=np.int64)
    grid_m[m:-m, m:-m, :-m] = grid
    return grid_m, int(mask.sum())


def setup_inputs(seed: int = 0) -> dict:
    key = jax.random.key(seed)
    k1, k2, k3 = jax.random.split(key, 3)
    grid, wc = _build_grid()
    inp = jax.random.normal(k1, (INPUT_SIZE,), dtype=jnp.float32)
    weight = jax.random.normal(k2, (wc, INPUT_SIZE, 2), dtype=jnp.float32) * 1e-3
    bias = jax.random.normal(k3, (wc, 2), dtype=jnp.float32)
    return {
        'input': inp,
        'weight': weight,
        'bias': bias,
        'grid3d_index': jnp.asarray(grid),
    }


def reference(input, weight, bias, grid3d_index):
    # VolumeExtraction path (rot_matrices / grid2d_coord are None):
    # per-voxel linear map out[z,y,x,:] = weight[idx]^T @ input + bias[idx],
    # masked to voxels with a valid index inside radius max_r.
    max_r = (grid3d_index.shape[0] - 2 * MARGIN) // 2
    Z, Y, X = grid3d_index.shape
    c = max_r + MARGIN
    zc = jnp.arange(Z) - c
    yc = jnp.arange(Y) - c
    xc = jnp.arange(X)
    r2 = (zc[:, None, None] ** 2 + yc[None, :, None] ** 2
          + xc[None, None, :] ** 2)
    valid = (grid3d_index >= 0) & (r2 <= max_r * max_r)
    safe = jnp.where(valid, grid3d_index, 0)
    w = jnp.take(weight, safe, axis=0)   # [Z,Y,X,K,2] gather (memory bound)
    b = jnp.take(bias, safe, axis=0)     # [Z,Y,X,2]
    vals = jnp.einsum('k,zyxkc->zyxc', input, w) + b
    return jnp.where(valid[..., None], vals, 0.0)

if __name__ == "__main__":
    import jax
    _d = setup_inputs()
    print(jax.jit(kernel)(*tuple(_d.values())))

</pallas_src>

<mosaic_0001>
#map = affine_map<(d0, d1) -> (0)>
module attributes {stable_mosaic.version = 14 : i64} {
  func.func @k(%arg0: i32, %arg1: i32, %arg2: memref<557056xf32, #tpu.memory_space<hbm>>, %arg3: memref<557056xf32, #tpu.memory_space<hbm>>, %arg4: memref<36864xi32, #tpu.memory_space<hbm>>, %arg5: memref<4665600xf32, #tpu.memory_space<hbm>>, %arg6: memref<2176xf32, #tpu.memory_space<vmem>>, %arg7: memref<2176xf32, #tpu.memory_space<vmem>>, %arg8: memref<2176xf32, #tpu.memory_space<vmem>>, %arg9: memref<2176xf32, #tpu.memory_space<vmem>>, %arg10: memref<1216xi32, #tpu.memory_space<vmem>>, %arg11: memref<8192xf32, #tpu.memory_space<vmem>>, %arg12: memref<8192xf32, #tpu.memory_space<vmem>>, %arg13: memref<!tpu.dma_semaphore, #tpu.memory_space<semaphore_mem>>, %arg14: memref<!tpu.dma_semaphore, #tpu.memory_space<semaphore_mem>>, %arg15: memref<!tpu.dma_semaphore, #tpu.memory_space<semaphore_mem>>, %arg16: memref<!tpu.dma_semaphore, #tpu.memory_space<semaphore_mem>>) attributes {dimension_semantics = [#tpu.dimension_semantics<core_parallel>, #tpu.dimension_semantics<subcore_parallel>], iteration_bounds = array<i64: 2, 16>, scalar_prefetch = 0 : i64, scratch_operands = 11 : i64, tpu.core_type = #tpu.core_type<sc_vector_subcore>, window_params = [{transform_indices = #map}, {transform_indices = #map}, {transform_indices = #map}, {transform_indices = #map}]} {
    %mul3A = arith.constant 2 : i32
    %mul3A_0 = arith.muli %arg1, %mul3A : i32
    %add3A = arith.addi %mul3A_0, %arg0 : i32
    %mul3A_1 = arith.constant 1152 : i32
    %mul3A_2 = arith.muli %add3A, %mul3A_1 : i32
    %multiple_of3A = tpu.assume_multiple %mul3A_2, 8 : i32
    "tpu.region"() ({
      %run_scoped3A = tpu.sem_alloc : memref<!tpu.dma_semaphore, #tpu.memory_space<semaphore_mem>>
      %dma_start3A_53 = arith.constant 0 : i32
      %dma_start3A_54 = tpu.memref_slice %arg10[%dma_start3A_53] : memref<1216xi32, #tpu.memory_space<vmem>> -> memref<1152xi32, #tpu.memory_space<vmem>>
      %dma_start3A_55 = tpu.memref_slice %arg4[%multiple_of3A] : memref<36864xi32, #tpu.memory_space<hbm>> -> memref<1152xi32, #tpu.memory_space<hbm>>
      %dma_start3A_56 = arith.constant 0 : i32
      %dma_start3A_57 = tpu.memref_slice %arg10[%dma_start3A_56] : memref<1216xi32, #tpu.memory_space<vmem>> -> memref<1152xi32, #tpu.memory_space<vmem>>
      %dma_start3A_58 = tpu.memref_slice %arg4[%multiple_of3A] : memref<36864xi32, #tpu.memory_space<hbm>> -> memref<1152xi32, #tpu.memory_space<hbm>>
      tpu.enqueue_dma source(%dma_start3A_58 : memref<1152xi32, #tpu.memory_space<hbm>>) target(%dma_start3A_57 : memref<1152xi32, #tpu.memory_space<vmem>>) target_semaphore(%run_scoped3A : memref<!tpu.dma_semaphore, #tpu.memory_space<semaphore_mem>>)
      %dma_wait3A_59 = arith.constant 0 : i32
      %dma_wait3A_60 = tpu.memref_slice %arg10[%dma_wait3A_59] : memref<1216xi32, #tpu.memory_space<vmem>> -> memref<1152xi32, #tpu.memory_space<vmem>>
      %dma_wait3A_61 = tpu.memref_slice %arg4[%multiple_of3A] : memref<36864xi32, #tpu.memory_space<hbm>> -> memref<1152xi32, #tpu.memory_space<hbm>>
      %dma_wait3A_62 = arith.constant 0 : i32
      %dma_wait3A_63 = tpu.memref_slice %arg10[%dma_wait3A_62] : memref<1216xi32, #tpu.memory_space<vmem>> -> memref<1152xi32, #tpu.memory_space<vmem>>
      %dma_wait3A_64 = tpu.memref_slice %arg4[%multiple_of3A] : memref<36864xi32, #tpu.memory_space<hbm>> -> memref<1152xi32, #tpu.memory_space<hbm>>
      tpu.wait_dma2 semaphore(%run_scoped3A : memref<!tpu.dma_semaphore, #tpu.memory_space<semaphore_mem>>) src(%dma_wait3A_64 : memref<1152xi32, #tpu.memory_space<hbm>>) dst(%dma_wait3A_63 : memref<1152xi32, #tpu.memory_space<vmem>>)
      tpu.yield
    }) : () -> ()
    %iota3A = tpu.iota {dimensions = array<i32: 0>} : vector<16xi32>
    %get3A = arith.constant 0 : index
    %get3A_3 = tpu.vector_load %arg10[%get3A] {strides = array<i32>} : memref<1216xi32, #tpu.memory_space<vmem>>, vector<16xi32>,
    %slice3A = vector.extract_strided_slice %get3A_3 {offsets = [0], sizes = [1], strides = [1]} : vector<16xi32> to vector<1xi32>
    %squeeze3A = vector.extract %slice3A[0] : i32 from vector<1xi32>
    %multiple_of3A_4 = tpu.assume_multiple %squeeze3A, 8 : i32
    %dma_start3A = arith.constant 0 : i32
    %dma_start3A_5 = tpu.memref_slice %arg6[%dma_start3A] : memref<2176xf32, #tpu.memory_space<vmem>> -> memref<2096xf32, #tpu.memory_space<vmem>>
    %dma_start3A_6 = tpu.memref_slice %arg2[%multiple_of3A_4] : memref<557056xf32, #tpu.memory_space<hbm>> -> memref<2096xf32, #tpu.memory_space<hbm>>
    %dma_start3A_7 = arith.constant 0 : i32
    %dma_start3A_8 = tpu.memref_slice %arg6[%dma_start3A_7] : memref<2176xf32, #tpu.memory_space<vmem>> -> memref<2096xf32, #tpu.memory_space<vmem>>
    %dma_start3A_9 = tpu.memref_slice %arg2[%multiple_of3A_4] : memref<557056xf32, #tpu.memory_space<hbm>> -> memref<2096xf32, #tpu.memory_space<hbm>>
    tpu.enqueue_dma source(%dma_start3A_9 : memref<2096xf32, #tpu.memory_space<hbm>>) target(%dma_start3A_8 : memref<2096xf32, #tpu.memory_space<vmem>>) target_semaphore(%arg13 : memref<!tpu.dma_semaphore, #tpu.memory_space<semaphore_mem>>)
    %dma_start3A_10 = arith.constant 0 : i32
    %dma_start3A_11 = tpu.memref_slice %arg8[%dma_start3A_10] : memref<2176xf32, #tpu.memory_space<vmem>> -> memref<2096xf32, #tpu.memory_space<vmem>>
    %dma_start3A_12 = tpu.memref_slice %arg3[%multiple_of3A_4] : memref<557056xf32, #tpu.memory_space<hbm>> -> memref<2096xf32, #tpu.memory_space<hbm>>
    %dma_start3A_13 = arith.constant 0 : i32
    %dma_start3A_14 = tpu.memref_slice %arg8[%dma_start3A_13] : memref<2176xf32, #tpu.memory_space<vmem>> -> memref<2096xf32, #tpu.memory_space<vmem>>
    %dma_start3A_15 = tpu.memref_slice %arg3[%multiple_of3A_4] : memref<557056xf32, #tpu.memory_space<hbm>> -> memref<2096xf32, #tpu.memory_space<hbm>>
    tpu.enqueue_dma source(%dma_start3A_15 : memref<2096xf32, #tpu.memory_space<hbm>>) target(%dma_start3A_14 : memref<2096xf32, #tpu.memory_space<vmem>>) target_semaphore(%arg13 : memref<!tpu.dma_semaphore, #tpu.memory_space<semaphore_mem>>)
    %get3A_16 = arith.constant 72 : index
    %get3A_17 = tpu.vector_load %arg10[%get3A_16] {strides = array<i32>} : memref<1216xi32, #tpu.memory_space<vmem>>, vector<16xi32>,
    %slice3A_18 = vector.extract_strided_slice %get3A_17 {offsets = [0], sizes = [1], strides = [1]} : vector<16xi32> to vector<1xi32>
    %squeeze3A_19 = vector.extract %slice3A_18[0] : i32 from vector<1xi32>
    %multiple_of3A_20 = tpu.assume_multiple %squeeze3A_19, 8 : i32
    %dma_start3A_21 = arith.constant 0 : i32
    %dma_start3A_22 = tpu.memref_slice %arg7[%dma_start3A_21] : memref<2176xf32, #tpu.memory_space<vmem>> -> memref<2096xf32, #tpu.memory_space<vmem>>
    %dma_start3A_23 = tpu.memref_slice %arg2[%multiple_of3A_20] : memref<557056xf32, #tpu.memory_space<hbm>> -> memref<2096xf32, #tpu.memory_space<hbm>>
    %dma_start3A_24 = arith.constant 0 : i32
    %dma_start3A_25 = tpu.memref_slice %arg7[%dma_start3A_24] : memref<2176xf32, #tpu.memory_space<vmem>> -> memref<2096xf32, #tpu.memory_space<vmem>>
    %dma_start3A_26 = tpu.memref_slice %arg2[%multiple_of3A_20] : memref<557056xf32, #tpu.memory_space<hbm>> -> memref<2096xf32, #tpu.memory_space<hbm>>
    tpu.enqueue_dma source(%dma_start3A_26 : memref<2096xf32, #tpu.memory_space<hbm>>) target(%dma_start3A_25 : memref<2096xf32, #tpu.memory_space<vmem>>) target_semaphore(%arg14 : memref<!tpu.dma_semaphore, #tpu.memory_space<semaphore_mem>>)
    %dma_start3A_27 = arith.constant 0 : i32
    %dma_start3A_28 = tpu.memref_slice %arg9[%dma_start3A_27] : memref<2176xf32, #tpu.memory_space<vmem>> -> memref<2096xf32, #tpu.memory_space<vmem>>
    %dma_start3A_29 = tpu.memref_slice %arg3[%multiple_of3A_20] : memref<557056xf32, #tpu.memory_space<hbm>> -> memref<2096xf32, #tpu.memory_space<hbm>>
    %dma_start3A_30 = arith.constant 0 : i32
    %dma_start3A_31 = tpu.memref_slice %arg9[%dma_start3A_30] : memref<2176xf32, #tpu.memory_space<vmem>> -> memref<2096xf32, #tpu.memory_space<vmem>>
    %dma_start3A_32 = tpu.memref_slice %arg3[%multiple_of3A_20] : memref<557056xf32, #tpu.memory_space<hbm>> -> memref<2096xf32, #tpu.memory_space<hbm>>
    tpu.enqueue_dma source(%dma_start3A_32 : memref<2096xf32, #tpu.memory_space<hbm>>) target(%dma_start3A_31 : memref<2096xf32, #tpu.memory_space<vmem>>) target_semaphore(%arg14 : memref<!tpu.dma_semaphore, #tpu.memory_space<semaphore_mem>>)
    %scan3A = arith.constant 0 : i32
    %scan3A_33 = arith.constant 0 : i32
    %scan3A_34 = arith.constant 8 : i32
    %scan3A_35 = arith.addi %scan3A_33, %scan3A_34 : i32
    %scan3A_36 = arith.constant 1 : i32
    scf.for %scan3A_53 = %scan3A_33 to %scan3A_35 step %scan3A_36  : i32 {
      %mul3A_54 = arith.constant 2 : i32
      %mul3A_55 = arith.muli %mul3A_54, %scan3A_53 : i32
      %add3A_56 = arith.constant 0 : i32
      %add3A_57 = arith.addi %mul3A_55, %add3A_56 : i32
      %mul3A_58 = arith.constant 72 : i32
      %mul3A_59 = arith.muli %add3A_57, %mul3A_58 : i32
      %dma_wait3A_60 = arith.constant 0 : i32
      %dma_wait3A_61 = tpu.memref_slice %arg6[%dma_wait3A_60] : memref<2176xf32, #tpu.memory_space<vmem>> -> memref<2096xf32, #tpu.memory_space<vmem>>
      %dma_wait3A_62 = arith.constant 0 : i32
      %dma_wait3A_63 = tpu.memref_slice %arg2[%dma_wait3A_62] : memref<557056xf32, #tpu.memory_space<hbm>> -> memref<2096xf32, #tpu.memory_space<hbm>>
      %dma_wait3A_64 = arith.constant 0 : i32
      %dma_wait3A_65 = tpu.memref_slice %arg6[%dma_wait3A_64] : memref<2176xf32, #tpu.memory_space<vmem>> -> memref<2096xf32, #tpu.memory_space<vmem>>
      %dma_wait3A_66 = arith.constant 0 : i32
      %dma_wait3A_67 = tpu.memref_slice %arg2[%dma_wait3A_66] : memref<557056xf32, #tpu.memory_space<hbm>> -> memref<2096xf32, #tpu.memory_space<hbm>>
      tpu.wait_dma2 semaphore(%arg13 : memref<!tpu.dma_semaphore, #tpu.memory_space<semaphore_mem>>) src(%dma_wait3A_67 : memref<2096xf32, #tpu.memory_space<hbm>>) dst(%dma_wait3A_65 : memref<2096xf32, #tpu.memory_space<vmem>>)
      %dma_wait3A_68 = arith.constant 0 : i32
      %dma_wait3A_69 = tpu.memref_slice %arg8[%dma_wait3A_68] : memref<2176xf32, #tpu.memory_space<vmem>> -> memref<2096xf32, #tpu.memory_space<vmem>>
      %dma_wait3A_70 = arith.constant 0 : i32
      %dma_wait3A_71 = tpu.memref_slice %arg2[%dma_wait3A_70] : memref<557056xf32, #tpu.memory_space<hbm>> -> memref<2096xf32, #tpu.memory_space<hbm>>
      %dma_wait3A_72 = arith.constant 0 : i32
      %dma_wait3A_73 = tpu.memref_slice %arg8[%dma_wait3A_72] : memref<2176xf32, #tpu.memory_space<vmem>> -> memref<2096xf32, #tpu.memory_space<vmem>>
      %dma_wait3A_74 = arith.constant 0 : i32
      %dma_wait3A_75 = tpu.memref_slice %arg2[%dma_wait3A_74] : memref<557056xf32, #tpu.memory_space<hbm>> -> memref<2096xf32, #tpu.memory_space<hbm>>
      tpu.wait_dma2 semaphore(%arg13 : memref<!tpu.dma_semaphore, #tpu.memory_space<semaphore_mem>>) src(%dma_wait3A_75 : memref<2096xf32, #tpu.memory_space<hbm>>) dst(%dma_wait3A_73 : memref<2096xf32, #tpu.memory_space<vmem>>)
      %ge3A = arith.constant 2 : i32
      %ge3A_76 = arith.cmpi sge, %add3A_57, %ge3A : i32
      %convert_element_type3A = arith.extui %ge3A_76 : i1 to i32
      %cond3A = arith.constant 0 : i32
      %cond3A_77 = arith.cmpi ne, %convert_element_type3A, %cond3A : i32
      scf.if %cond3A_77 {
        %dma_wait3A_152 = arith.constant 0 : i32
        %dma_wait3A_153 = tpu.memref_slice %arg11[%dma_wait3A_152] : memref<8192xf32, #tpu.memory_space<vmem>> -> memref<8192xf32, #tpu.memory_space<vmem>>
        %dma_wait3A_154 = arith.constant 0 : i32
        %dma_wait3A_155 = tpu.memref_slice %arg5[%dma_wait3A_154] : memref<4665600xf32, #tpu.memory_space<hbm>> -> memref<8192xf32, #tpu.memory_space<hbm>>
        %dma_wait3A_156 = arith.constant 0 : i32
        %dma_wait3A_157 = tpu.memref_slice %arg5[%dma_wait3A_156] : memref<4665600xf32, #tpu.memory_space<hbm>> -> memref<8192xf32, #tpu.memory_space<hbm>>
        %dma_wait3A_158 = arith.constant 0 : i32
        %dma_wait3A_159 = tpu.memref_slice %arg11[%dma_wait3A_158] : memref<8192xf32, #tpu.memory_space<vmem>> -> memref<8192xf32, #tpu.memory_space<vmem>>
        tpu.wait_dma2 semaphore(%arg15 : memref<!tpu.dma_semaphore, #tpu.memory_space<semaphore_mem>>) src(%dma_wait3A_159 : memref<8192xf32, #tpu.memory_space<vmem>>) dst(%dma_wait3A_157 : memref<8192xf32, #tpu.memory_space<hbm>>)
      } else {
      }
      %scan3A_78 = arith.constant 0 : i32
      %scan3A_79 = arith.constant 0 : i32
      %scan3A_80 = arith.constant 32 : i32
      %scan3A_81 = arith.addi %scan3A_79, %scan3A_80 : i32
      %scan3A_82 = arith.constant 1 : i32
      scf.for %scan3A_152 = %scan3A_79 to %scan3A_81 step %scan3A_82  : i32 {
        %add3A_153 = arith.constant 2 : i32
        %add3A_154 = arith.addi %mul3A_59, %add3A_153 : i32
        %add3A_155 = arith.addi %add3A_154, %scan3A_152 : i32
        %get3A_156 = arith.index_cast %add3A_155 : i32 to index
        %get3A_157 = tpu.vector_load %arg10[%get3A_156] {strides = array<i32>} : memref<1216xi32, #tpu.memory_space<vmem>>, vector<16xi32>,
        %slice3A_158 = vector.extract_strided_slice %get3A_157 {offsets = [0], sizes = [1], strides = [1]} : vector<16xi32> to vector<1xi32>
        %squeeze3A_159 = vector.extract %slice3A_158[0] : i32 from vector<1xi32>
        %add3A_160 = arith.constant 2 : i32
        %add3A_161 = arith.addi %mul3A_59, %add3A_160 : i32
        %add3A_162 = arith.constant 32 : i32
        %add3A_163 = arith.addi %add3A_161, %add3A_162 : i32
        %add3A_164 = arith.addi %add3A_163, %scan3A_152 : i32
        %get3A_165 = arith.index_cast %add3A_164 : i32 to index
        %get3A_166 = tpu.vector_load %arg10[%get3A_165] {strides = array<i32>} : memref<1216xi32, #tpu.memory_space<vmem>>, vector<16xi32>,
        %slice3A_167 = vector.extract_strided_slice %get3A_166 {offsets = [0], sizes = [1], strides = [1]} : vector<16xi32> to vector<1xi32>
        %squeeze3A_168 = vector.extract %slice3A_167[0] : i32 from vector<1xi32>
        %mul3A_169 = arith.constant 256 : i32
        %mul3A_170 = arith.muli %scan3A_152, %mul3A_169 : i32
        %add3A_171 = arith.constant 0 : i32
        %add3A_172 = vector.broadcast %add3A_171 : i32 to vector<16xi32>
        %add3A_173 = arith.addi %iota3A, %add3A_172 : vector<16xi32>
        %lt3A_174 = vector.broadcast %squeeze3A_168 : i32 to vector<16xi32>
        %lt3A_175 = arith.cmpi slt, %add3A_173, %lt3A_174 : vector<16xi32>
        %add3A_176 = arith.constant 0 : i32
        %add3A_177 = arith.addi %squeeze3A_159, %add3A_176 : i32
        %get3A_178 = arith.index_cast %add3A_177 : i32 to index
        %get3A_179 = tpu.vector_load %arg6[%get3A_178] {strides = array<i32>} : memref<2176xf32, #tpu.memory_space<vmem>>, vector<16xf32>,
        %jit3A = arith.constant 0.000000e+00 : f32
        %broadcast_in_dim3A = vector.broadcast %jit3A : f32 to vector<16xf32>
        %select_n3A = arith.select %lt3A_175, %get3A_179, %broadcast_in_dim3A : vector<16xi1>, vector<16xf32>
        %add3A_180 = arith.constant 0 : i32
        %add3A_181 = arith.addi %mul3A_170, %add3A_180 : i32
        %add3A_182 = arith.constant 0 : i32
        %add3A_183 = arith.addi %add3A_181, %add3A_182 : i32
        %swap3A = arith.index_cast %add3A_183 : i32 to index
        %swap3A_184 = tpu.vector_load %arg11[%swap3A] {strides = array<i32>} : memref<8192xf32, #tpu.memory_space<vmem>>, vector<16xf32>,
        tpu.vector_store %arg11[%swap3A], %select_n3A {strides = array<i32>} : memref<8192xf32, #tpu.memory_space<vmem>>, vector<16xf32>,
        %add3A_185 = arith.constant 16 : i32
        %add3A_186 = vector.broadcast %add3A_185 : i32 to vector<16xi32>
        %add3A_187 = arith.addi %iota3A, %add3A_186 : vector<16xi32>
        %lt3A_188 = vector.broadcast %squeeze3A_168 : i32 to vector<16xi32>
        %lt3A_189 = arith.cmpi slt, %add3A_187, %lt3A_188 : vector<16xi32>
        %add3A_190 = arith.constant 16 : i32
        %add3A_191 = arith.addi %squeeze3A_159, %add3A_190 : i32
        %get3A_192 = arith.index_cast %add3A_191 : i32 to index
        %get3A_193 = tpu.vector_load %arg6[%get3A_192] {strides = array<i32>} : memref<2176xf32, #tpu.memory_space<vmem>>, vector<16xf32>,
        %jit3A_194 = arith.constant 0.000000e+00 : f32
        %broadcast_in_dim3A_195 = vector.broadcast %jit3A_194 : f32 to vector<16xf32>
        %select_n3A_196 = arith.select %lt3A_189, %get3A_193, %broadcast_in_dim3A_195 : vector<16xi1>, vector<16xf32>
        %add3A_197 = arith.constant 0 : i32
        %add3A_198 = arith.addi %mul3A_170, %add3A_197 : i32
        %add3A_199 = arith.constant 16 : i32
        %add3A_200 = arith.addi %add3A_198, %add3A_199 : i32
        %swap3A_201 = arith.index_cast %add3A_200 : i32 to index
        %swap3A_202 = tpu.vector_load %arg11[%swap3A_201] {strides = array<i32>} : memref<8192xf32, #tpu.memory_space<vmem>>, vector<16xf32>,
        tpu.vector_store %arg11[%swap3A_201], %select_n3A_196 {strides = array<i32>} : memref<8192xf32, #tpu.memory_space<vmem>>, vector<16xf32>,
        %add3A_203 = arith.constant 32 : i32
        %add3A_204 = vector.broadcast %add3A_203 : i32 to vector<16xi32>
        %add3A_205 = arith.addi %iota3A, %add3A_204 : vector<16xi32>
        %lt3A_206 = vector.broadcast %squeeze3A_168 : i32 to vector<16xi32>
        %lt3A_207 = arith.cmpi slt, %add3A_205, %lt3A_206 : vector<16xi32>
        %add3A_208 = arith.constant 32 : i32
        %add3A_209 = arith.addi %squeeze3A_159, %add3A_208 : i32
        %get3A_210 = arith.index_cast %add3A_209 : i32 to index
        %get3A_211 = tpu.vector_load %arg6[%get3A_210] {strides = array<i32>} : memref<2176xf32, #tpu.memory_space<vmem>>, vector<16xf32>,
        %jit3A_212 = arith.constant 0.000000e+00 : f32
        %broadcast_in_dim3A_213 = vector.broadcast %jit3A_212 : f32 to vector<16xf32>
        %select_n3A_214 = arith.select %lt3A_207, %get3A_211, %broadcast_in_dim3A_213 : vector<16xi1>, vector<16xf32>
        %add3A_215 = arith.constant 0 : i32
        %add3A_216 = arith.addi %mul3A_170, %add3A_215 : i32
        %add3A_217 = arith.constant 32 : i32
        %add3A_218 = arith.addi %add3A_216, %add3A_217 : i32
        %swap3A_219 = arith.index_cast %add3A_218 : i32 to index
        %swap3A_220 = tpu.vector_load %arg11[%swap3A_219] {strides = array<i32>} : memref<8192xf32, #tpu.memory_space<vmem>>, vector<16xf32>,
        tpu.vector_store %arg11[%swap3A_219], %select_n3A_214 {strides = array<i32>} : memref<8192xf32, #tpu.memory_space<vmem>>, vector<16xf32>,
        %add3A_221 = arith.constant 48 : i32
        %add3A_222 = vector.broadcast %add3A_221 : i32 to vector<16xi32>
        %add3A_223 = arith.addi %iota3A, %add3A_222 : vector<16xi32>
        %lt3A_224 = vector.broadcast %squeeze3A_168 : i32 to vector<16xi32>
        %lt3A_225 = arith.cmpi slt, %add3A_223, %lt3A_224 : vector<16xi32>
        %add3A_226 = arith.constant 48 : i32
        %add3A_227 = arith.addi %squeeze3A_159, %add3A_226 : i32
        %get3A_228 = arith.index_cast %add3A_227 : i32 to index
        %get3A_229 = tpu.vector_load %arg6[%get3A_228] {strides = array<i32>} : memref<2176xf32, #tpu.memory_space<vmem>>, vector<16xf32>,
        %jit3A_230 = arith.constant 0.000000e+00 : f32
        %broadcast_in_dim3A_231 = vector.broadcast %jit3A_230 : f32 to vector<16xf32>
        %select_n3A_232 = arith.select %lt3A_225, %get3A_229, %broadcast_in_dim3A_231 : vector<16xi1>, vector<16xf32>
        %add3A_233 = arith.constant 0 : i32
        %add3A_234 = arith.addi %mul3A_170, %add3A_233 : i32
        %add3A_235 = arith.constant 48 : i32
        %add3A_236 = arith.addi %add3A_234, %add3A_235 : i32
        %swap3A_237 = arith.index_cast %add3A_236 : i32 to index
        %swap3A_238 = tpu.vector_load %arg11[%swap3A_237] {strides = array<i32>} : memref<8192xf32, #tpu.memory_space<vmem>>, vector<16xf32>,
        tpu.vector_store %arg11[%swap3A_237], %select_n3A_232 {strides = array<i32>} : memref<8192xf32, #tpu.memory_space<vmem>>, vector<16xf32>,
        %add3A_239 = arith.constant 64 : i32
        %add3A_240 = vector.broadcast %add3A_239 : i32 to vector<16xi32>
        %add3A_241 = arith.addi %iota3A, %add3A_240 : vector<16xi32>
        %lt3A_242 = vector.broadcast %squeeze3A_168 : i32 to vector<16xi32>
        %lt3A_243 = arith.cmpi slt, %add3A_241, %lt3A_242 : vector<16xi32>
        %add3A_244 = arith.constant 64 : i32
        %add3A_245 = arith.addi %squeeze3A_159, %add3A_244 : i32
        %get3A_246 = arith.index_cast %add3A_245 : i32 to index
        %get3A_247 = tpu.vector_load %arg6[%get3A_246] {strides = array<i32>} : memref<2176xf32, #tpu.memory_space<vmem>>, vector<16xf32>,
        %jit3A_248 = arith.constant 0.000000e+00 : f32
        %broadcast_in_dim3A_249 = vector.broadcast %jit3A_248 : f32 to vector<16xf32>
        %select_n3A_250 = arith.select %lt3A_243, %get3A_247, %broadcast_in_dim3A_249 : vector<16xi1>, vector<16xf32>
        %add3A_251 = arith.constant 0 : i32
        %add3A_252 = arith.addi %mul3A_170, %add3A_251 : i32
        %add3A_253 = arith.constant 64 : i32
        %add3A_254 = arith.addi %add3A_252, %add3A_253 : i32
        %swap3A_255 = arith.index_cast %add3A_254 : i32 to index
        %swap3A_256 = tpu.vector_load %arg11[%swap3A_255] {strides = array<i32>} : memref<8192xf32, #tpu.memory_space<vmem>>, vector<16xf32>,
        tpu.vector_store %arg11[%swap3A_255], %select_n3A_250 {strides = array<i32>} : memref<8192xf32, #tpu.memory_space<vmem>>, vector<16xf32>,
        %add3A_257 = arith.constant 0 : i32
        %add3A_258 = vector.broadcast %add3A_257 : i32 to vector<16xi32>
        %add3A_259 = arith.addi %iota3A, %add3A_258 : vector<16xi32>
        %lt3A_260 = vector.broadcast %squeeze3A_168 : i32 to vector<16xi32>
        %lt3A_261 = arith.cmpi slt, %add3A_259, %lt3A_260 : vector<16xi32>
        %add3A_262 = arith.constant 0 : i32
        %add3A_263 = arith.addi %squeeze3A_159, %add3A_262 : i32
        %get3A_264 = arith.index_cast %add3A_263 : i32 to index
        %get3A_265 = tpu.vector_load %arg8[%get3A_264] {strides = array<i32>} : memref<2176xf32, #tpu.memory_space<vmem>>, vector<16xf32>,
        %jit3A_266 = arith.constant 0.000000e+00 : f32
        %broadcast_in_dim3A_267 = vector.broadcast %jit3A_266 : f32 to vector<16xf32>
        %select_n3A_268 = arith.select %lt3A_261, %get3A_265, %broadcast_in_dim3A_267 : vector<16xi1>, vector<16xf32>
        %add3A_269 = arith.constant 128 : i32
        %add3A_270 = arith.addi %mul3A_170, %add3A_269 : i32
        %add3A_271 = arith.constant 0 : i32
        %add3A_272 = arith.addi %add3A_270, %add3A_271 : i32
        %swap3A_273 = arith.index_cast %add3A_272 : i32 to index
        %swap3A_274 = tpu.vector_load %arg11[%swap3A_273] {strides = array<i32>} : memref<8192xf32, #tpu.memory_space<vmem>>, vector<16xf32>,
        tpu.vector_store %arg11[%swap3A_273], %select_n3A_268 {strides = array<i32>} : memref<8192xf32, #tpu.memory_space<vmem>>, vector<16xf32>,
        %add3A_275 = arith.constant 16 : i32
        %add3A_276 = vector.broadcast %add3A_275 : i32 to vector<16xi32>
        %add3A_277 = arith.addi %iota3A, %add3A_276 : vector<16xi32>
        %lt3A_278 = vector.broadcast %squeeze3A_168 : i32 to vector<16xi32>
        %lt3A_279 = arith.cmpi slt, %add3A_277, %lt3A_278 : vector<16xi32>
        %add3A_280 = arith.constant 16 : i32
        %add3A_281 = arith.addi %squeeze3A_159, %add3A_280 : i32
        %get3A_282 = arith.index_cast %add3A_281 : i32 to index
        %get3A_283 = tpu.vector_load %arg8[%get3A_282] {strides = array<i32>} : memref<2176xf32, #tpu.memory_space<vmem>>, vector<16xf32>,
        %jit3A_284 = arith.constant 0.000000e+00 : f32
        %broadcast_in_dim3A_285 = vector.broadcast %jit3A_284 : f32 to vector<16xf32>
        %select_n3A_286 = arith.select %lt3A_279, %get3A_283, %broadcast_in_dim3A_285 : vector<16xi1>, vector<16xf32>
        %add3A_287 = arith.constant 128 : i32
        %add3A_288 = arith.addi %mul3A_170, %add3A_287 : i32
        %add3A_289 = arith.constant 16 : i32
        %add3A_290 = arith.addi %add3A_288, %add3A_289 : i32
        %swap3A_291 = arith.index_cast %add3A_290 : i32 to index
        %swap3A_292 = tpu.vector_load %arg11[%swap3A_291] {strides = array<i32>} : memref<8192xf32, #tpu.memory_space<vmem>>, vector<16xf32>,
        tpu.vector_store %arg11[%swap3A_291], %select_n3A_286 {strides = array<i32>} : memref<8192xf32, #tpu.memory_space<vmem>>, vector<16xf32>,
        %add3A_293 = arith.constant 32 : i32
        %add3A_294 = vector.broadcast %add3A_293 : i32 to vector<16xi32>
        %add3A_295 = arith.addi %iota3A, %add3A_294 : vector<16xi32>
        %lt3A_296 = vector.broadcast %squeeze3A_168 : i32 to vector<16xi32>
        %lt3A_297 = arith.cmpi slt, %add3A_295, %lt3A_296 : vector<16xi32>
        %add3A_298 = arith.constant 32 : i32
        %add3A_299 = arith.addi %squeeze3A_159, %add3A_298 : i32
        %get3A_300 = arith.index_cast %add3A_299 : i32 to index
        %get3A_301 = tpu.vector_load %arg8[%get3A_300] {strides = array<i32>} : memref<2176xf32, #tpu.memory_space<vmem>>, vector<16xf32>,
        %jit3A_302 = arith.constant 0.000000e+00 : f32
        %broadcast_in_dim3A_303 = vector.broadcast %jit3A_302 : f32 to vector<16xf32>
        %select_n3A_304 = arith.select %lt3A_297, %get3A_301, %broadcast_in_dim3A_303 : vector<16xi1>, vector<16xf32>
        %add3A_305 = arith.constant 128 : i32
        %add3A_306 = arith.addi %mul3A_170, %add3A_305 : i32
        %add3A_307 = arith.constant 32 : i32
        %add3A_308 = arith.addi %add3A_306, %add3A_307 : i32
        %swap3A_309 = arith.index_cast %add3A_308 : i32 to index
        %swap3A_310 = tpu.vector_load %arg11[%swap3A_309] {strides = array<i32>} : memref<8192xf32, #tpu.memory_space<vmem>>, vector<16xf32>,
        tpu.vector_store %arg11[%swap3A_309], %select_n3A_304 {strides = array<i32>} : memref<8192xf32, #tpu.memory_space<vmem>>, vector<16xf32>,
        %add3A_311 = arith.constant 48 : i32
        %add3A_312 = vector.broadcast %add3A_311 : i32 to vector<16xi32>
        %add3A_313 = arith.addi %iota3A, %add3A_312 : vector<16xi32>
        %lt3A_314 = vector.broadcast %squeeze3A_168 : i32 to vector<16xi32>
        %lt3A_315 = arith.cmpi slt, %add3A_313, %lt3A_314 : vector<16xi32>
        %add3A_316 = arith.constant 48 : i32
        %add3A_317 = arith.addi %squeeze3A_159, %add3A_316 : i32
        %get3A_318 = arith.index_cast %add3A_317 : i32 to index
        %get3A_319 = tpu.vector_load %arg8[%get3A_318] {strides = array<i32>} : memref<2176xf32, #tpu.memory_space<vmem>>, vector<16xf32>,
        %jit3A_320 = arith.constant 0.000000e+00 : f32
        %broadcast_in_dim3A_321 = vector.broadcast %jit3A_320 : f32 to vector<16xf32>
        %select_n3A_322 = arith.select %lt3A_315, %get3A_319, %broadcast_in_dim3A_321 : vector<16xi1>, vector<16xf32>
        %add3A_323 = arith.constant 128 : i32
        %add3A_324 = arith.addi %mul3A_170, %add3A_323 : i32
        %add3A_325 = arith.constant 48 : i32
        %add3A_326 = arith.addi %add3A_324, %add3A_325 : i32
        %swap3A_327 = arith.index_cast %add3A_326 : i32 to index
        %swap3A_328 = tpu.vector_load %arg11[%swap3A_327] {strides = array<i32>} : memref<8192xf32, #tpu.memory_space<vmem>>, vector<16xf32>,
        tpu.vector_store %arg11[%swap3A_327], %select_n3A_322 {strides = array<i32>} : memref<8192xf32, #tpu.memory_space<vmem>>, vector<16xf32>,
        %add3A_329 = arith.constant 64 : i32
        %add3A_330 = vector.broadcast %add3A_329 : i32 to vector<16xi32>
        %add3A_331 = arith.addi %iota3A, %add3A_330 : vector<16xi32>
        %lt3A_332 = vector.broadcast %squeeze3A_168 : i32 to vector<16xi32>
        %lt3A_333 = arith.cmpi slt, %add3A_331, %lt3A_332 : vector<16xi32>
        %add3A_334 = arith.constant 64 : i32
        %add3A_335 = arith.addi %squeeze3A_159, %add3A_334 : i32
        %get3A_336 = arith.index_cast %add3A_335 : i32 to index
        %get3A_337 = tpu.vector_load %arg8[%get3A_336] {strides = array<i32>} : memref<2176xf32, #tpu.memory_space<vmem>>, vector<16xf32>,
        %jit3A_338 = arith.constant 0.000000e+00 : f32
        %broadcast_in_dim3A_339 = vector.broadcast %jit3A_338 : f32 to vector<16xf32>
        %select_n3A_340 = arith.select %lt3A_333, %get3A_337, %broadcast_in_dim3A_339 : vector<16xi1>, vector<16xf32>
        %add3A_341 = arith.constant 128 : i32
        %add3A_342 = arith.addi %mul3A_170, %add3A_341 : i32
        %add3A_343 = arith.constant 64 : i32
        %add3A_344 = arith.addi %add3A_342, %add3A_343 : i32
        %swap3A_345 = arith.index_cast %add3A_344 : i32 to index
        %swap3A_346 = tpu.vector_load %arg11[%swap3A_345] {strides = array<i32>} : memref<8192xf32, #tpu.memory_space<vmem>>, vector<16xf32>,
        tpu.vector_store %arg11[%swap3A_345], %select_n3A_340 {strides = array<i32>} : memref<8192xf32, #tpu.memory_space<vmem>>, vector<16xf32>,
      }
      %scan3A_83 = arith.constant 32 : i32
      %add3A_84 = arith.constant 2 : i32
      %add3A_85 = arith.addi %add3A_57, %add3A_84 : i32
      %lt3A = arith.constant 16 : i32
      %lt3A_86 = arith.cmpi slt, %add3A_85, %lt3A : i32
      %convert_element_type3A_87 = arith.extui %lt3A_86 : i1 to i32
      %cond3A_88 = arith.constant 0 : i32
      %cond3A_89 = arith.cmpi ne, %convert_element_type3A_87, %cond3A_88 : i32
      scf.if %cond3A_89 {
        %add3A_152 = arith.constant 2 : i32
        %add3A_153 = arith.addi %add3A_57, %add3A_152 : i32
        %mul3A_154 = arith.constant 72 : i32
        %mul3A_155 = arith.muli %add3A_153, %mul3A_154 : i32
        %get3A_156 = arith.index_cast %mul3A_155 : i32 to index
        %get3A_157 = tpu.vector_load %arg10[%get3A_156] {strides = array<i32>} : memref<1216xi32, #tpu.memory_space<vmem>>, vector<16xi32>,
        %slice3A_158 = vector.extract_strided_slice %get3A_157 {offsets = [0], sizes = [1], strides = [1]} : vector<16xi32> to vector<1xi32>
        %squeeze3A_159 = vector.extract %slice3A_158[0] : i32 from vector<1xi32>
        %multiple_of3A_160 = tpu.assume_multiple %squeeze3A_159, 8 : i32
        %dma_start3A_161 = arith.constant 0 : i32
        %dma_start3A_162 = tpu.memref_slice %arg6[%dma_start3A_161] : memref<2176xf32, #tpu.memory_space<vmem>> -> memref<2096xf32, #tpu.memory_space<vmem>>
        %dma_start3A_163 = tpu.memref_slice %arg2[%multiple_of3A_160] : memref<557056xf32, #tpu.memory_space<hbm>> -> memref<2096xf32, #tpu.memory_space<hbm>>
        %dma_start3A_164 = arith.constant 0 : i32
        %dma_start3A_165 = tpu.memref_slice %arg6[%dma_start3A_164] : memref<2176xf32, #tpu.memory_space<vmem>> -> memref<2096xf32, #tpu.memory_space<vmem>>
        %dma_start3A_166 = tpu.memref_slice %arg2[%multiple_of3A_160] : memref<557056xf32, #tpu.memory_space<hbm>> -> memref<2096xf32, #tpu.memory_space<hbm>>
        tpu.enqueue_dma source(%dma_start3A_166 : memref<2096xf32, #tpu.memory_space<hbm>>) target(%dma_start3A_165 : memref<2096xf32, #tpu.memory_space<vmem>>) target_semaphore(%arg13 : memref<!tpu.dma_semaphore, #tpu.memory_space<semaphore_mem>>)
        %dma_start3A_167 = arith.constant 0 : i32
        %dma_start3A_168 = tpu.memref_slice %arg8[%dma_start3A_167] : memref<2176xf32, #tpu.memory_space<vmem>> -> memref<2096xf32, #tpu.memory_space<vmem>>
        %dma_start3A_169 = tpu.memref_slice %arg3[%multiple_of3A_160] : memref<557056xf32, #tpu.memory_space<hbm>> -> memref<2096xf32, #tpu.memory_space<hbm>>
        %dma_start3A_170 = arith.constant 0 : i32
        %dma_start3A_171 = tpu.memref_slice %arg8[%dma_start3A_170] : memref<2176xf32, #tpu.memory_space<vmem>> -> memref<2096xf32, #tpu.memory_space<vmem>>
        %dma_start3A_172 = tpu.memref_slice %arg3[%multiple_of3A_160] : memref<557056xf32, #tpu.memory_space<hbm>> -> memref<2096xf32, #tpu.memory_space<hbm>>
        tpu.enqueue_dma source(%dma_start3A_172 : memref<2096xf32, #tpu.memory_space<hbm>>) target(%dma_start3A_171 : memref<2096xf32, #tpu.memory_space<vmem>>) target_semaphore(%arg13 : memref<!tpu.dma_semaphore, #tpu.memory_space<semaphore_mem>>)
      } else {
      }
      %get3A_90 = arith.index_cast %mul3A_59 : i32 to index
      %get3A_91 = tpu.vector_load %arg10[%get3A_90] {strides = array<i32>} : memref<1216xi32, #tpu.memory_space<vmem>>, vector<16xi32>,
      %slice3A_92 = vector.extract_strided_slice %get3A_91 {offsets = [1], sizes = [1], strides = [1]} : vector<16xi32> to vector<1xi32>
      %squeeze3A_93 = vector.extract %slice3A_92[0] : i32 from vector<1xi32>
      %multiple_of3A_94 = tpu.assume_multiple %squeeze3A_93, 8 : i32
      %dma_start3A_95 = arith.constant 0 : i32
      %dma_start3A_96 = tpu.memref_slice %arg11[%dma_start3A_95] : memref<8192xf32, #tpu.memory_space<vmem>> -> memref<8192xf32, #tpu.memory_space<vmem>>
      %dma_start3A_97 = tpu.memref_slice %arg5[%multiple_of3A_94] : memref<4665600xf32, #tpu.memory_space<hbm>> -> memref<8192xf32, #tpu.memory_space<hbm>>
      %dma_start3A_98 = tpu.memref_slice %arg5[%multiple_of3A_94] : memref<4665600xf32, #tpu.memory_space<hbm>> -> memref<8192xf32, #tpu.memory_space<hbm>>
      %dma_start3A_99 = arith.constant 0 : i32
      %dma_start3A_100 = tpu.memref_slice %arg11[%dma_start3A_99] : memref<8192xf32, #tpu.memory_space<vmem>> -> memref<8192xf32, #tpu.memory_space<vmem>>
      tpu.enqueue_dma source(%dma_start3A_100 : memref<8192xf32, #tpu.memory_space<vmem>>) target(%dma_start3A_98 : memref<8192xf32, #tpu.memory_space<hbm>>) target_semaphore(%arg15 : memref<!tpu.dma_semaphore, #tpu.memory_space<semaphore_mem>>)
      %mul3A_101 = arith.constant 2 : i32
      %mul3A_102 = arith.muli %mul3A_101, %scan3A_53 : i32
      %add3A_103 = arith.constant 1 : i32
      %add3A_104 = arith.addi %mul3A_102, %add3A_103 : i32
      %mul3A_105 = arith.constant 72 : i32
      %mul3A_106 = arith.muli %add3A_104, %mul3A_105 : i32
      %dma_wait3A_107 = arith.constant 0 : i32
      %dma_wait3A_108 = tpu.memref_slice %arg7[%dma_wait3A_107] : memref<2176xf32, #tpu.memory_space<vmem>> -> memref<2096xf32, #tpu.memory_space<vmem>>
      %dma_wait3A_109 = arith.constant 0 : i32
      %dma_wait3A_110 = tpu.memref_slice %arg2[%dma_wait3A_109] : memref<557056xf32, #tpu.memory_space<hbm>> -> memref<2096xf32, #tpu.memory_space<hbm>>
      %dma_wait3A_111 = arith.constant 0 : i32
      %dma_wait3A_112 = tpu.memref_slice %arg7[%dma_wait3A_111] : memref<2176xf32, #tpu.memory_space<vmem>> -> memref<2096xf32, #tpu.memory_space<vmem>>
      %dma_wait3A_113 = arith.constant 0 : i32
      %dma_wait3A_114 = tpu.memref_slice %arg2[%dma_wait3A_113] : memref<557056xf32, #tpu.memory_space<hbm>> -> memref<2096xf32, #tpu.memory_space<hbm>>
      tpu.wait_dma2 semaphore(%arg14 : memref<!tpu.dma_semaphore, #tpu.memory_space<semaphore_mem>>) src(%dma_wait3A_114 : memref<2096xf32, #tpu.memory_space<hbm>>) dst(%dma_wait3A_112 : memref<2096xf32, #tpu.memory_space<vmem>>)
      %dma_wait3A_115 = arith.constant 0 : i32
      %dma_wait3A_116 = tpu.memref_slice %arg9[%dma_wait3A_115] : memref<2176xf32, #tpu.memory_space<vmem>> -> memref<2096xf32, #tpu.memory_space<vmem>>
      %dma_wait3A_117 = arith.constant 0 : i32
      %dma_wait3A_118 = tpu.memref_slice %arg2[%dma_wait3A_117] : memref<557056xf32, #tpu.memory_space<hbm>> -> memref<2096xf32, #tpu.memory_space<hbm>>
      %dma_wait3A_119 = arith.constant 0 : i32
      %dma_wait3A_120 = tpu.memref_slice %arg9[%dma_wait3A_119] : memref<2176xf32, #tpu.memory_space<vmem>> -> memref<2096xf32, #tpu.memory_space<vmem>>
      %dma_wait3A_121 = arith.constant 0 : i32
      %dma_wait3A_122 = tpu.memref_slice %arg2[%dma_wait3A_121] : memref<557056xf32, #tpu.memory_space<hbm>> -> memref<2096xf32, #tpu.memory_space<hbm>>
      tpu.wait_dma2 semaphore(%arg14 : memref<!tpu.dma_semaphore, #tpu.memory_space<semaphore_mem>>) src(%dma_wait3A_122 : memref<2096xf32, #tpu.memory_space<hbm>>) dst(%dma_wait3A_120 : memref<2096xf32, #tpu.memory_space<vmem>>)
      %ge3A_123 = arith.constant 2 : i32
      %ge3A_124 = arith.cmpi sge, %add3A_104, %ge3A_123 : i32
      %convert_element_type3A_125 = arith.extui %ge3A_124 : i1 to i32
      %cond3A_126 = arith.constant 0 : i32
      %cond3A_127 = arith.cmpi ne, %convert_element_type3A_125, %cond3A_126 : i32
      scf.if %cond3A_127 {
        %dma_wait3A_152 = arith.constant 0 : i32
        %dma_wait3A_153 = tpu.memref_slice %arg12[%dma_wait3A_152] : memref<8192xf32, #tpu.memory_space<vmem>> -> memref<8192xf32, #tpu.memory_space<vmem>>
        %dma_wait3A_154 = arith.constant 0 : i32
        %dma_wait3A_155 = tpu.memref_slice %arg5[%dma_wait3A_154] : memref<4665600xf32, #tpu.memory_space<hbm>> -> memref<8192xf32, #tpu.memory_space<hbm>>
        %dma_wait3A_156 = arith.constant 0 : i32
        %dma_wait3A_157 = tpu.memref_slice %arg5[%dma_wait3A_156] : memref<4665600xf32, #tpu.memory_space<hbm>> -> memref<8192xf32, #tpu.memory_space<hbm>>
        %dma_wait3A_158 = arith.constant 0 : i32
        %dma_wait3A_159 = tpu.memref_slice %arg12[%dma_wait3A_158] : memref<8192xf32, #tpu.memory_space<vmem>> -> memref<8192xf32, #tpu.memory_space<vmem>>
        tpu.wait_dma2 semaphore(%arg16 : memref<!tpu.dma_semaphore, #tpu.memory_space<semaphore_mem>>) src(%dma_wait3A_159 : memref<8192xf32, #tpu.memory_space<vmem>>) dst(%dma_wait3A_157 : memref<8192xf32, #tpu.memory_space<hbm>>)
      } else {
      }
      %scan3A_128 = arith.constant 0 : i32
      %scan3A_129 = arith.constant 0 : i32
      %scan3A_130 = arith.constant 32 : i32
      %scan3A_131 = arith.addi %scan3A_129, %scan3A_130 : i32
      %scan3A_132 = arith.constant 1 : i32
      scf.for %scan3A_152 = %scan3A_129 to %scan3A_131 step %scan3A_132  : i32 {
        %add3A_153 = arith.constant 2 : i32
        %add3A_154 = arith.addi %mul3A_106, %add3A_153 : i32
        %add3A_155 = arith.addi %add3A_154, %scan3A_152 : i32
        %get3A_156 = arith.index_cast %add3A_155 : i32 to index
        %get3A_157 = tpu.vector_load %arg10[%get3A_156] {strides = array<i32>} : memref<1216xi32, #tpu.memory_space<vmem>>, vector<16xi32>,
        %slice3A_158 = vector.extract_strided_slice %get3A_157 {offsets = [0], sizes = [1], strides = [1]} : vector<16xi32> to vector<1xi32>
        %squeeze3A_159 = vector.extract %slice3A_158[0] : i32 from vector<1xi32>
        %add3A_160 = arith.constant 2 : i32
        %add3A_161 = arith.addi %mul3A_106, %add3A_160 : i32
        %add3A_162 = arith.constant 32 : i32
        %add3A_163 = arith.addi %add3A_161, %add3A_162 : i32
        %add3A_164 = arith.addi %add3A_163, %scan3A_152 : i32
        %get3A_165 = arith.index_cast %add3A_164 : i32 to index
        %get3A_166 = tpu.vector_load %arg10[%get3A_165] {strides = array<i32>} : memref<1216xi32, #tpu.memory_space<vmem>>, vector<16xi32>,
        %slice3A_167 = vector.extract_strided_slice %get3A_166 {offsets = [0], sizes = [1], strides = [1]} : vector<16xi32> to vector<1xi32>
        %squeeze3A_168 = vector.extract %slice3A_167[0] : i32 from vector<1xi32>
        %mul3A_169 = arith.constant 256 : i32
        %mul3A_170 = arith.muli %scan3A_152, %mul3A_169 : i32
        %add3A_171 = arith.constant 0 : i32
        %add3A_172 = vector.broadcast %add3A_171 : i32 to vector<16xi32>
        %add3A_173 = arith.addi %iota3A, %add3A_172 : vector<16xi32>
        %lt3A_174 = vector.broadcast %squeeze3A_168 : i32 to vector<16xi32>
        %lt3A_175 = arith.cmpi slt, %add3A_173, %lt3A_174 : vector<16xi32>
        %add3A_176 = arith.constant 0 : i32
        %add3A_177 = arith.addi %squeeze3A_159, %add3A_176 : i32
        %get3A_178 = arith.index_cast %add3A_177 : i32 to index
        %get3A_179 = tpu.vector_load %arg7[%get3A_178] {strides = array<i32>} : memref<2176xf32, #tpu.memory_space<vmem>>, vector<16xf32>,
        %jit3A = arith.constant 0.000000e+00 : f32
        %broadcast_in_dim3A = vector.broadcast %jit3A : f32 to vector<16xf32>
        %select_n3A = arith.select %lt3A_175, %get3A_179, %broadcast_in_dim3A : vector<16xi1>, vector<16xf32>
        %add3A_180 = arith.constant 0 : i32
        %add3A_181 = arith.addi %mul3A_170, %add3A_180 : i32
        %add3A_182 = arith.constant 0 : i32
        %add3A_183 = arith.addi %add3A_181, %add3A_182 : i32
        %swap3A = arith.index_cast %add3A_183 : i32 to index
        %swap3A_184 = tpu.vector_load %arg12[%swap3A] {strides = array<i32>} : memref<8192xf32, #tpu.memory_space<vmem>>, vector<16xf32>,
        tpu.vector_store %arg12[%swap3A], %select_n3A {strides = array<i32>} : memref<8192xf32, #tpu.memory_space<vmem>>, vector<16xf32>,
        %add3A_185 = arith.constant 16 : i32
        %add3A_186 = vector.broadcast %add3A_185 : i32 to vector<16xi32>
        %add3A_187 = arith.addi %iota3A, %add3A_186 : vector<16xi32>
        %lt3A_188 = vector.broadcast %squeeze3A_168 : i32 to vector<16xi32>
        %lt3A_189 = arith.cmpi slt, %add3A_187, %lt3A_188 : vector<16xi32>
        %add3A_190 = arith.constant 16 : i32
        %add3A_191 = arith.addi %squeeze3A_159, %add3A_190 : i32
        %get3A_192 = arith.index_cast %add3A_191 : i32 to index
        %get3A_193 = tpu.vector_load %arg7[%get3A_192] {strides = array<i32>} : memref<2176xf32, #tpu.memory_space<vmem>>, vector<16xf32>,
        %jit3A_194 = arith.constant 0.000000e+00 : f32
        %broadcast_in_dim3A_195 = vector.broadcast %jit3A_194 : f32 to vector<16xf32>
        %select_n3A_196 = arith.select %lt3A_189, %get3A_193, %broadcast_in_dim3A_195 : vector<16xi1>, vector<16xf32>
        %add3A_197 = arith.constant 0 : i32
        %add3A_198 = arith.addi %mul3A_170, %add3A_197 : i32
        %add3A_199 = arith.constant 16 : i32
        %add3A_200 = arith.addi %add3A_198, %add3A_199 : i32
        %swap3A_201 = arith.index_cast %add3A_200 : i32 to index
        %swap3A_202 = tpu.vector_load %arg12[%swap3A_201] {strides = array<i32>} : memref<8192xf32, #tpu.memory_space<vmem>>, vector<16xf32>,
        tpu.vector_store %arg12[%swap3A_201], %select_n3A_196 {strides = array<i32>} : memref<8192xf32, #tpu.memory_space<vmem>>, vector<16xf32>,
        %add3A_203 = arith.constant 32 : i32
        %add3A_204 = vector.broadcast %add3A_203 : i32 to vector<16xi32>
        %add3A_205 = arith.addi %iota3A, %add3A_204 : vector<16xi32>
        %lt3A_206 = vector.broadcast %squeeze3A_168 : i32 to vector<16xi32>
        %lt3A_207 = arith.cmpi slt, %add3A_205, %lt3A_206 : vector<16xi32>
        %add3A_208 = arith.constant 32 : i32
        %add3A_209 = arith.addi %squeeze3A_159, %add3A_208 : i32
        %get3A_210 = arith.index_cast %add3A_209 : i32 to index
        %get3A_211 = tpu.vector_load %arg7[%get3A_210] {strides = array<i32>} : memref<2176xf32, #tpu.memory_space<vmem>>, vector<16xf32>,
        %jit3A_212 = arith.constant 0.000000e+00 : f32
        %broadcast_in_dim3A_213 = vector.broadcast %jit3A_212 : f32 to vector<16xf32>
        %select_n3A_214 = arith.select %lt3A_207, %get3A_211, %broadcast_in_dim3A_213 : vector<16xi1>, vector<16xf32>
        %add3A_215 = arith.constant 0 : i32
        %add3A_216 = arith.addi %mul3A_170, %add3A_215 : i32
        %add3A_217 = arith.constant 32 : i32
        %add3A_218 = arith.addi %add3A_216, %add3A_217 : i32
        %swap3A_219 = arith.index_cast %add3A_218 : i32 to index
        %swap3A_220 = tpu.vector_load %arg12[%swap3A_219] {strides = array<i32>} : memref<8192xf32, #tpu.memory_space<vmem>>, vector<16xf32>,
        tpu.vector_store %arg12[%swap3A_219], %select_n3A_214 {strides = array<i32>} : memref<8192xf32, #tpu.memory_space<vmem>>, vector<16xf32>,
        %add3A_221 = arith.constant 48 : i32
        %add3A_222 = vector.broadcast %add3A_221 : i32 to vector<16xi32>
        %add3A_223 = arith.addi %iota3A, %add3A_222 : vector<16xi32>
        %lt3A_224 = vector.broadcast %squeeze3A_168 : i32 to vector<16xi32>
        %lt3A_225 = arith.cmpi slt, %add3A_223, %lt3A_224 : vector<16xi32>
        %add3A_226 = arith.constant 48 : i32
        %add3A_227 = arith.addi %squeeze3A_159, %add3A_226 : i32
        %get3A_228 = arith.index_cast %add3A_227 : i32 to index
        %get3A_229 = tpu.vector_load %arg7[%get3A_228] {strides = array<i32>} : memref<2176xf32, #tpu.memory_space<vmem>>, vector<16xf32>,
        %jit3A_230 = arith.constant 0.000000e+00 : f32
        %broadcast_in_dim3A_231 = vector.broadcast %jit3A_230 : f32 to vector<16xf32>
        %select_n3A_232 = arith.select %lt3A_225, %get3A_229, %broadcast_in_dim3A_231 : vector<16xi1>, vector<16xf32>
        %add3A_233 = arith.constant 0 : i32
        %add3A_234 = arith.addi %mul3A_170, %add3A_233 : i32
        %add3A_235 = arith.constant 48 : i32
        %add3A_236 = arith.addi %add3A_234, %add3A_235 : i32
        %swap3A_237 = arith.index_cast %add3A_236 : i32 to index
        %swap3A_238 = tpu.vector_load %arg12[%swap3A_237] {strides = array<i32>} : memref<8192xf32, #tpu.memory_space<vmem>>, vector<16xf32>,
        tpu.vector_store %arg12[%swap3A_237], %select_n3A_232 {strides = array<i32>} : memref<8192xf32, #tpu.memory_space<vmem>>, vector<16xf32>,
        %add3A_239 = arith.constant 64 : i32
        %add3A_240 = vector.broadcast %add3A_239 : i32 to vector<16xi32>
        %add3A_241 = arith.addi %iota3A, %add3A_240 : vector<16xi32>
        %lt3A_242 = vector.broadcast %squeeze3A_168 : i32 to vector<16xi32>
        %lt3A_243 = arith.cmpi slt, %add3A_241, %lt3A_242 : vector<16xi32>
        %add3A_244 = arith.constant 64 : i32
        %add3A_245 = arith.addi %squeeze3A_159, %add3A_244 : i32
        %get3A_246 = arith.index_cast %add3A_245 : i32 to index
        %get3A_247 = tpu.vector_load %arg7[%get3A_246] {strides = array<i32>} : memref<2176xf32, #tpu.memory_space<vmem>>, vector<16xf32>,
        %jit3A_248 = arith.constant 0.000000e+00 : f32
        %broadcast_in_dim3A_249 = vector.broadcast %jit3A_248 : f32 to vector<16xf32>
        %select_n3A_250 = arith.select %lt3A_243, %get3A_247, %broadcast_in_dim3A_249 : vector<16xi1>, vector<16xf32>
        %add3A_251 = arith.constant 0 : i32
        %add3A_252 = arith.addi %mul3A_170, %add3A_251 : i32
        %add3A_253 = arith.constant 64 : i32
        %add3A_254 = arith.addi %add3A_252, %add3A_253 : i32
        %swap3A_255 = arith.index_cast %add3A_254 : i32 to index
        %swap3A_256 = tpu.vector_load %arg12[%swap3A_255] {strides = array<i32>} : memref<8192xf32, #tpu.memory_space<vmem>>, vector<16xf32>,
        tpu.vector_store %arg12[%swap3A_255], %select_n3A_250 {strides = array<i32>} : memref<8192xf32, #tpu.memory_space<vmem>>, vector<16xf32>,
        %add3A_257 = arith.constant 0 : i32
        %add3A_258 = vector.broadcast %add3A_257 : i32 to vector<16xi32>
        %add3A_259 = arith.addi %iota3A, %add3A_258 : vector<16xi32>
        %lt3A_260 = vector.broadcast %squeeze3A_168 : i32 to vector<16xi32>
        %lt3A_261 = arith.cmpi slt, %add3A_259, %lt3A_260 : vector<16xi32>
        %add3A_262 = arith.constant 0 : i32
        %add3A_263 = arith.addi %squeeze3A_159, %add3A_262 : i32
        %get3A_264 = arith.index_cast %add3A_263 : i32 to index
        %get3A_265 = tpu.vector_load %arg9[%get3A_264] {strides = array<i32>} : memref<2176xf32, #tpu.memory_space<vmem>>, vector<16xf32>,
        %jit3A_266 = arith.constant 0.000000e+00 : f32
        %broadcast_in_dim3A_267 = vector.broadcast %jit3A_266 : f32 to vector<16xf32>
        %select_n3A_268 = arith.select %lt3A_261, %get3A_265, %broadcast_in_dim3A_267 : vector<16xi1>, vector<16xf32>
        %add3A_269 = arith.constant 128 : i32
        %add3A_270 = arith.addi %mul3A_170, %add3A_269 : i32
        %add3A_271 = arith.constant 0 : i32
        %add3A_272 = arith.addi %add3A_270, %add3A_271 : i32
        %swap3A_273 = arith.index_cast %add3A_272 : i32 to index
        %swap3A_274 = tpu.vector_load %arg12[%swap3A_273] {strides = array<i32>} : memref<8192xf32, #tpu.memory_space<vmem>>, vector<16xf32>,
        tpu.vector_store %arg12[%swap3A_273], %select_n3A_268 {strides = array<i32>} : memref<8192xf32, #tpu.memory_space<vmem>>, vector<16xf32>,
        %add3A_275 = arith.constant 16 : i32
        %add3A_276 = vector.broadcast %add3A_275 : i32 to vector<16xi32>
        %add3A_277 = arith.addi %iota3A, %add3A_276 : vector<16xi32>
        %lt3A_278 = vector.broadcast %squeeze3A_168 : i32 to vector<16xi32>
        %lt3A_279 = arith.cmpi slt, %add3A_277, %lt3A_278 : vector<16xi32>
        %add3A_280 = arith.constant 16 : i32
        %add3A_281 = arith.addi %squeeze3A_159, %add3A_280 : i32
        %get3A_282 = arith.index_cast %add3A_281 : i32 to index
        %get3A_283 = tpu.vector_load %arg9[%get3A_282] {strides = array<i32>} : memref<2176xf32, #tpu.memory_space<vmem>>, vector<16xf32>,
        %jit3A_284 = arith.constant 0.000000e+00 : f32
        %broadcast_in_dim3A_285 = vector.broadcast %jit3A_284 : f32 to vector<16xf32>
        %select_n3A_286 = arith.select %lt3A_279, %get3A_283, %broadcast_in_dim3A_285 : vector<16xi1>, vector<16xf32>
        %add3A_287 = arith.constant 128 : i32
        %add3A_288 = arith.addi %mul3A_170, %add3A_287 : i32
        %add3A_289 = arith.constant 16 : i32
        %add3A_290 = arith.addi %add3A_288, %add3A_289 : i32
        %swap3A_291 = arith.index_cast %add3A_290 : i32 to index
        %swap3A_292 = tpu.vector_load %arg12[%swap3A_291] {strides = array<i32>} : memref<8192xf32, #tpu.memory_space<vmem>>, vector<16xf32>,
        tpu.vector_store %arg12[%swap3A_291], %select_n3A_286 {strides = array<i32>} : memref<8192xf32, #tpu.memory_space<vmem>>, vector<16xf32>,
        %add3A_293 = arith.constant 32 : i32
        %add3A_294 = vector.broadcast %add3A_293 : i32 to vector<16xi32>
        %add3A_295 = arith.addi %iota3A, %add3A_294 : vector<16xi32>
        %lt3A_296 = vector.broadcast %squeeze3A_168 : i32 to vector<16xi32>
        %lt3A_297 = arith.cmpi slt, %add3A_295, %lt3A_296 : vector<16xi32>
        %add3A_298 = arith.constant 32 : i32
        %add3A_299 = arith.addi %squeeze3A_159, %add3A_298 : i32
        %get3A_300 = arith.index_cast %add3A_299 : i32 to index
        %get3A_301 = tpu.vector_load %arg9[%get3A_300] {strides = array<i32>} : memref<2176xf32, #tpu.memory_space<vmem>>, vector<16xf32>,
        %jit3A_302 = arith.constant 0.000000e+00 : f32
        %broadcast_in_dim3A_303 = vector.broadcast %jit3A_302 : f32 to vector<16xf32>
        %select_n3A_304 = arith.select %lt3A_297, %get3A_301, %broadcast_in_dim3A_303 : vector<16xi1>, vector<16xf32>
        %add3A_305 = arith.constant 128 : i32
        %add3A_306 = arith.addi %mul3A_170, %add3A_305 : i32
        %add3A_307 = arith.constant 32 : i32
        %add3A_308 = arith.addi %add3A_306, %add3A_307 : i32
        %swap3A_309 = arith.index_cast %add3A_308 : i32 to index
        %swap3A_310 = tpu.vector_load %arg12[%swap3A_309] {strides = array<i32>} : memref<8192xf32, #tpu.memory_space<vmem>>, vector<16xf32>,
        tpu.vector_store %arg12[%swap3A_309], %select_n3A_304 {strides = array<i32>} : memref<8192xf32, #tpu.memory_space<vmem>>, vector<16xf32>,
        %add3A_311 = arith.constant 48 : i32
        %add3A_312 = vector.broadcast %add3A_311 : i32 to vector<16xi32>
        %add3A_313 = arith.addi %iota3A, %add3A_312 : vector<16xi32>
        %lt3A_314 = vector.broadcast %squeeze3A_168 : i32 to vector<16xi32>
        %lt3A_315 = arith.cmpi slt, %add3A_313, %lt3A_314 : vector<16xi32>
        %add3A_316 = arith.constant 48 : i32
        %add3A_317 = arith.addi %squeeze3A_159, %add3A_316 : i32
        %get3A_318 = arith.index_cast %add3A_317 : i32 to index
        %get3A_319 = tpu.vector_load %arg9[%get3A_318] {strides = array<i32>} : memref<2176xf32, #tpu.memory_space<vmem>>, vector<16xf32>,
        %jit3A_320 = arith.constant 0.000000e+00 : f32
        %broadcast_in_dim3A_321 = vector.broadcast %jit3A_320 : f32 to vector<16xf32>
        %select_n3A_322 = arith.select %lt3A_315, %get3A_319, %broadcast_in_dim3A_321 : vector<16xi1>, vector<16xf32>
        %add3A_323 = arith.constant 128 : i32
        %add3A_324 = arith.addi %mul3A_170, %add3A_323 : i32
        %add3A_325 = arith.constant 48 : i32
        %add3A_326 = arith.addi %add3A_324, %add3A_325 : i32
        %swap3A_327 = arith.index_cast %add3A_326 : i32 to index
        %swap3A_328 = tpu.vector_load %arg12[%swap3A_327] {strides = array<i32>} : memref<8192xf32, #tpu.memory_space<vmem>>, vector<16xf32>,
        tpu.vector_store %arg12[%swap3A_327], %select_n3A_322 {strides = array<i32>} : memref<8192xf32, #tpu.memory_space<vmem>>, vector<16xf32>,
        %add3A_329 = arith.constant 64 : i32
        %add3A_330 = vector.broadcast %add3A_329 : i32 to vector<16xi32>
        %add3A_331 = arith.addi %iota3A, %add3A_330 : vector<16xi32>
        %lt3A_332 = vector.broadcast %squeeze3A_168 : i32 to vector<16xi32>
        %lt3A_333 = arith.cmpi slt, %add3A_331, %lt3A_332 : vector<16xi32>
        %add3A_334 = arith.constant 64 : i32
        %add3A_335 = arith.addi %squeeze3A_159, %add3A_334 : i32
        %get3A_336 = arith.index_cast %add3A_335 : i32 to index
        %get3A_337 = tpu.vector_load %arg9[%get3A_336] {strides = array<i32>} : memref<2176xf32, #tpu.memory_space<vmem>>, vector<16xf32>,
        %jit3A_338 = arith.constant 0.000000e+00 : f32
        %broadcast_in_dim3A_339 = vector.broadcast %jit3A_338 : f32 to vector<16xf32>
        %select_n3A_340 = arith.select %lt3A_333, %get3A_337, %broadcast_in_dim3A_339 : vector<16xi1>, vector<16xf32>
        %add3A_341 = arith.constant 128 : i32
        %add3A_342 = arith.addi %mul3A_170, %add3A_341 : i32
        %add3A_343 = arith.constant 64 : i32
        %add3A_344 = arith.addi %add3A_342, %add3A_343 : i32
        %swap3A_345 = arith.index_cast %add3A_344 : i32 to index
        %swap3A_346 = tpu.vector_load %arg12[%swap3A_345] {strides = array<i32>} : memref<8192xf32, #tpu.memory_space<vmem>>, vector<16xf32>,
        tpu.vector_store %arg12[%swap3A_345], %select_n3A_340 {strides = array<i32>} : memref<8192xf32, #tpu.memory_space<vmem>>, vector<16xf32>,
      }
      %scan3A_133 = arith.constant 32 : i32
      %add3A_134 = arith.constant 2 : i32
      %add3A_135 = arith.addi %add3A_104, %add3A_134 : i32
      %lt3A_136 = arith.constant 16 : i32
      %lt3A_137 = arith.cmpi slt, %add3A_135, %lt3A_136 : i32
      %convert_element_type3A_138 = arith.extui %lt3A_137 : i1 to i32
      %cond3A_139 = arith.constant 0 : i32
      %cond3A_140 = arith.cmpi ne, %convert_element_type3A_138, %cond3A_139 : i32
      scf.if %cond3A_140 {
        %add3A_152 = arith.constant 2 : i32
        %add3A_153 = arith.addi %add3A_104, %add3A_152 : i32
        %mul3A_154 = arith.constant 72 : i32
        %mul3A_155 = arith.muli %add3A_153, %mul3A_154 : i32
        %get3A_156 = arith.index_cast %mul3A_155 : i32 to index
        %get3A_157 = tpu.vector_load %arg10[%get3A_156] {strides = array<i32>} : memref<1216xi32, #tpu.memory_space<vmem>>, vector<16xi32>,
        %slice3A_158 = vector.extract_strided_slice %get3A_157 {offsets = [0], sizes = [1], strides = [1]} : vector<16xi32> to vector<1xi32>
        %squeeze3A_159 = vector.extract %slice3A_158[0] : i32 from vector<1xi32>
        %multiple_of3A_160 = tpu.assume_multiple %squeeze3A_159, 8 : i32
        %dma_start3A_161 = arith.constant 0 : i32
        %dma_start3A_162 = tpu.memref_slice %arg7[%dma_start3A_161] : memref<2176xf32, #tpu.memory_space<vmem>> -> memref<2096xf32, #tpu.memory_space<vmem>>
        %dma_start3A_163 = tpu.memref_slice %arg2[%multiple_of3A_160] : memref<557056xf32, #tpu.memory_space<hbm>> -> memref<2096xf32, #tpu.memory_space<hbm>>
        %dma_start3A_164 = arith.constant 0 : i32
        %dma_start3A_165 = tpu.memref_slice %arg7[%dma_start3A_164] : memref<2176xf32, #tpu.memory_space<vmem>> -> memref<2096xf32, #tpu.memory_space<vmem>>
        %dma_start3A_166 = tpu.memref_slice %arg2[%multiple_of3A_160] : memref<557056xf32, #tpu.memory_space<hbm>> -> memref<2096xf32, #tpu.memory_space<hbm>>
        tpu.enqueue_dma source(%dma_start3A_166 : memref<2096xf32, #tpu.memory_space<hbm>>) target(%dma_start3A_165 : memref<2096xf32, #tpu.memory_space<vmem>>) target_semaphore(%arg14 : memref<!tpu.dma_semaphore, #tpu.memory_space<semaphore_mem>>)
        %dma_start3A_167 = arith.constant 0 : i32
        %dma_start3A_168 = tpu.memref_slice %arg9[%dma_start3A_167] : memref<2176xf32, #tpu.memory_space<vmem>> -> memref<2096xf32, #tpu.memory_space<vmem>>
        %dma_start3A_169 = tpu.memref_slice %arg3[%multiple_of3A_160] : memref<557056xf32, #tpu.memory_space<hbm>> -> memref<2096xf32, #tpu.memory_space<hbm>>
        %dma_start3A_170 = arith.constant 0 : i32
        %dma_start3A_171 = tpu.memref_slice %arg9[%dma_start3A_170] : memref<2176xf32, #tpu.memory_space<vmem>> -> memref<2096xf32, #tpu.memory_space<vmem>>
        %dma_start3A_172 = tpu.memref_slice %arg3[%multiple_of3A_160] : memref<557056xf32, #tpu.memory_space<hbm>> -> memref<2096xf32, #tpu.memory_space<hbm>>
        tpu.enqueue_dma source(%dma_start3A_172 : memref<2096xf32, #tpu.memory_space<hbm>>) target(%dma_start3A_171 : memref<2096xf32, #tpu.memory_space<vmem>>) target_semaphore(%arg14 : memref<!tpu.dma_semaphore, #tpu.memory_space<semaphore_mem>>)
      } else {
      }
      %get3A_141 = arith.index_cast %mul3A_106 : i32 to index
      %get3A_142 = tpu.vector_load %arg10[%get3A_141] {strides = array<i32>} : memref<1216xi32, #tpu.memory_space<vmem>>, vector<16xi32>,
      %slice3A_143 = vector.extract_strided_slice %get3A_142 {offsets = [1], sizes = [1], strides = [1]} : vector<16xi32> to vector<1xi32>
      %squeeze3A_144 = vector.extract %slice3A_143[0] : i32 from vector<1xi32>
      %multiple_of3A_145 = tpu.assume_multiple %squeeze3A_144, 8 : i32
      %dma_start3A_146 = arith.constant 0 : i32
      %dma_start3A_147 = tpu.memref_slice %arg12[%dma_start3A_146] : memref<8192xf32, #tpu.memory_space<vmem>> -> memref<8192xf32, #tpu.memory_space<vmem>>
      %dma_start3A_148 = tpu.memref_slice %arg5[%multiple_of3A_145] : memref<4665600xf32, #tpu.memory_space<hbm>> -> memref<8192xf32, #tpu.memory_space<hbm>>
      %dma_start3A_149 = tpu.memref_slice %arg5[%multiple_of3A_145] : memref<4665600xf32, #tpu.memory_space<hbm>> -> memref<8192xf32, #tpu.memory_space<hbm>>
      %dma_start3A_150 = arith.constant 0 : i32
      %dma_start3A_151 = tpu.memref_slice %arg12[%dma_start3A_150] : memref<8192xf32, #tpu.memory_space<vmem>> -> memref<8192xf32, #tpu.memory_space<vmem>>
      tpu.enqueue_dma source(%dma_start3A_151 : memref<8192xf32, #tpu.memory_space<vmem>>) target(%dma_start3A_149 : memref<8192xf32, #tpu.memory_space<hbm>>) target_semaphore(%arg16 : memref<!tpu.dma_semaphore, #tpu.memory_space<semaphore_mem>>)
    }
    %scan3A_37 = arith.constant 8 : i32
    %dma_wait3A = arith.constant 0 : i32
    %dma_wait3A_38 = tpu.memref_slice %arg11[%dma_wait3A] : memref<8192xf32, #tpu.memory_space<vmem>> -> memref<8192xf32, #tpu.memory_space<vmem>>
    %dma_wait3A_39 = arith.constant 0 : i32
    %dma_wait3A_40 = tpu.memref_slice %arg5[%dma_wait3A_39] : memref<4665600xf32, #tpu.memory_space<hbm>> -> memref<8192xf32, #tpu.memory_space<hbm>>
    %dma_wait3A_41 = arith.constant 0 : i32
    %dma_wait3A_42 = tpu.memref_slice %arg5[%dma_wait3A_41] : memref<4665600xf32, #tpu.memory_space<hbm>> -> memref<8192xf32, #tpu.memory_space<hbm>>
    %dma_wait3A_43 = arith.constant 0 : i32
    %dma_wait3A_44 = tpu.memref_slice %arg11[%dma_wait3A_43] : memref<8192xf32, #tpu.memory_space<vmem>> -> memref<8192xf32, #tpu.memory_space<vmem>>
    tpu.wait_dma2 semaphore(%arg15 : memref<!tpu.dma_semaphore, #tpu.memory_space<semaphore_mem>>) src(%dma_wait3A_44 : memref<8192xf32, #tpu.memory_space<vmem>>) dst(%dma_wait3A_42 : memref<8192xf32, #tpu.memory_space<hbm>>)
    %dma_wait3A_45 = arith.constant 0 : i32
    %dma_wait3A_46 = tpu.memref_slice %arg12[%dma_wait3A_45] : memref<8192xf32, #tpu.memory_space<vmem>> -> memref<8192xf32, #tpu.memory_space<vmem>>
    %dma_wait3A_47 = arith.constant 0 : i32
    %dma_wait3A_48 = tpu.memref_slice %arg5[%dma_wait3A_47] : memref<4665600xf32, #tpu.memory_space<hbm>> -> memref<8192xf32, #tpu.memory_space<hbm>>
    %dma_wait3A_49 = arith.constant 0 : i32
    %dma_wait3A_50 = tpu.memref_slice %arg5[%dma_wait3A_49] : memref<4665600xf32, #tpu.memory_space<hbm>> -> memref<8192xf32, #tpu.memory_space<hbm>>
    %dma_wait3A_51 = arith.constant 0 : i32
    %dma_wait3A_52 = tpu.memref_slice %arg12[%dma_wait3A_51] : memref<8192xf32, #tpu.memory_space<vmem>> -> memref<8192xf32, #tpu.memory_space<vmem>>
    tpu.wait_dma2 semaphore(%arg16 : memref<!tpu.dma_semaphore, #tpu.memory_space<semaphore_mem>>) src(%dma_wait3A_52 : memref<8192xf32, #tpu.memory_space<vmem>>) dst(%dma_wait3A_50 : memref<8192xf32, #tpu.memory_space<hbm>>)
    return
  }
}

module attributes {stable_mosaic.version = 14 : i64} {
  func.func @body(%arg0: i32, %arg1: memref<1x16xf32, #tpu.memory_space<vmem>>, %arg2: memref<16x2x8192xf32, #tpu.memory_space<vmem>>, %arg3: memref<2x8192xf32, #tpu.memory_space<vmem>>, %arg4: memref<8192xf32, #tpu.memory_space<vmem>>, %arg5: memref<8192xf32, #tpu.memory_space<vmem>>) attributes {dimension_semantics = [#tpu.dimension_semantics<arbitrary>], iteration_bounds = array<i64: 68>, scalar_prefetch = 0 : i64, scratch_operands = 0 : i64, tpu.core_type = #tpu.core_type<tc>, window_params = [{pipeline_mode = #tpu.pipeline_mode<synchronous>, transform_indices = @transform_0, window_bounds = array<i64: 1, 16>}, {transform_indices = @transform_1, window_bounds = array<i64: 16, 2, 8192>}, {transform_indices = @transform_2, window_bounds = array<i64: 2, 8192>}, {transform_indices = @transform_3, window_bounds = array<i64: 8192>}, {transform_indices = @transform_4, window_bounds = array<i64: 8192>}]} {
    %get3A = arith.constant 0 : index
    %get3A_0 = arith.constant 0 : index
    %get3A_1 = vector.load %arg3[%get3A, %get3A_0] : memref<2x8192xf32, #tpu.memory_space<vmem>>, vector<1x8192xf32>
    %get3A_2 = vector.shape_cast %get3A_1 : vector<1x8192xf32> to vector<8192xf32>
    %get3A_3 = arith.constant 1 : index
    %get3A_4 = arith.constant 0 : index
    %get3A_5 = vector.load %arg3[%get3A_3, %get3A_4] : memref<2x8192xf32, #tpu.memory_space<vmem>>, vector<1x8192xf32>
    %get3A_6 = vector.shape_cast %get3A_5 : vector<1x8192xf32> to vector<8192xf32>
    %get3A_7 = arith.constant 0 : index
    %get3A_8 = arith.constant 0 : index
    %get3A_9 = arith.constant 0 : index
    %get3A_10 = vector.load %arg2[%get3A_7, %get3A_8, %get3A_9] : memref<16x2x8192xf32, #tpu.memory_space<vmem>>, vector<1x1x8192xf32>
    %get3A_11 = vector.shape_cast %get3A_10 : vector<1x1x8192xf32> to vector<8192xf32>
    %get3A_12 = arith.constant 0 : index
    %get3A_13 = arith.constant 0 : index
    %get3A_14 = vector.load %arg1[%get3A_12, %get3A_13] : memref<1x16xf32, #tpu.memory_space<vmem>>, vector<1x1xf32>
    %get3A_15 = vector.extract %get3A_14[0, 0] : f32 from vector<1x1xf32>
    %mul3A = vector.broadcast %get3A_15 : f32 to vector<8192xf32>
    %mul3A_16 = arith.mulf %get3A_11, %mul3A : vector<8192xf32>
    %add3A = arith.addf %get3A_2, %mul3A_16 : vector<8192xf32>
    %get3A_17 = arith.constant 0 : index
    %get3A_18 = arith.constant 1 : index
    %get3A_19 = arith.constant 0 : index
    %get3A_20 = vector.load %arg2[%get3A_17, %get3A_18, %get3A_19] : memref<16x2x8192xf32, #tpu.memory_space<vmem>>, vector<1x1x8192xf32>
    %get3A_21 = vector.shape_cast %get3A_20 : vector<1x1x8192xf32> to vector<8192xf32>
    %get3A_22 = arith.constant 0 : index
    %get3A_23 = arith.constant 0 : index
    %get3A_24 = vector.load %arg1[%get3A_22, %get3A_23] : memref<1x16xf32, #tpu.memory_space<vmem>>, vector<1x1xf32>
    %get3A_25 = vector.extract %get3A_24[0, 0] : f32 from vector<1x1xf32>
    %mul3A_26 = vector.broadcast %get3A_25 : f32 to vector<8192xf32>
    %mul3A_27 = arith.mulf %get3A_21, %mul3A_26 : vector<8192xf32>
    %add3A_28 = arith.addf %get3A_6, %mul3A_27 : vector<8192xf32>
    %get3A_29 = arith.constant 1 : index
    %get3A_30 = arith.constant 0 : index
    %get3A_31 = arith.constant 0 : index
    %get3A_32 = vector.load %arg2[%get3A_29, %get3A_30, %get3A_31] : memref<16x2x8192xf32, #tpu.memory_space<vmem>>, vector<1x1x8192xf32>
    %get3A_33 = vector.shape_cast %get3A_32 : vector<1x1x8192xf32> to vector<8192xf32>
    %get3A_34 = arith.constant 0 : index
    %get3A_35 = arith.constant 1 : index
    %get3A_36 = vector.load %arg1[%get3A_34, %get3A_35] : memref<1x16xf32, #tpu.memory_space<vmem>>, vector<1x1xf32>
    %get3A_37 = vector.extract %get3A_36[0, 0] : f32 from vector<1x1xf32>
    %mul3A_38 = vector.broadcast %get3A_37 : f32 to vector<8192xf32>
    %mul3A_39 = arith.mulf %get3A_33, %mul3A_38 : vector<8192xf32>
    %add3A_40 = arith.addf %add3A, %mul3A_39 : vector<8192xf32>
    %get3A_41 = arith.constant 1 : index
    %get3A_42 = arith.constant 1 : index
    %get3A_43 = arith.constant 0 : index
    %get3A_44 = vector.load %arg2[%get3A_41, %get3A_42, %get3A_43] : memref<16x2x8192xf32, #tpu.memory_space<vmem>>, vector<1x1x8192xf32>
    %get3A_45 = vector.shape_cast %get3A_44 : vector<1x1x8192xf32> to vector<8192xf32>
    %get3A_46 = arith.constant 0 : index
    %get3A_47 = arith.constant 1 : index
    %get3A_48 = vector.load %arg1[%get3A_46, %get3A_47] : memref<1x16xf32, #tpu.memory_space<vmem>>, vector<1x1xf32>
    %get3A_49 = vector.extract %get3A_48[0, 0] : f32 from vector<1x1xf32>
    %mul3A_50 = vector.broadcast %get3A_49 : f32 to vector<8192xf32>
    %mul3A_51 = arith.mulf %get3A_45, %mul3A_50 : vector<8192xf32>
    %add3A_52 = arith.addf %add3A_28, %mul3A_51 : vector<8192xf32>
    %get3A_53 = arith.constant 2 : index
    %get3A_54 = arith.constant 0 : index
    %get3A_55 = arith.constant 0 : index
    %get3A_56 = vector.load %arg2[%get3A_53, %get3A_54, %get3A_55] : memref<16x2x8192xf32, #tpu.memory_space<vmem>>, vector<1x1x8192xf32>
    %get3A_57 = vector.shape_cast %get3A_56 : vector<1x1x8192xf32> to vector<8192xf32>
    %get3A_58 = arith.constant 0 : index
    %get3A_59 = arith.constant 2 : index
    %get3A_60 = vector.load %arg1[%get3A_58, %get3A_59] : memref<1x16xf32, #tpu.memory_space<vmem>>, vector<1x1xf32>
    %get3A_61 = vector.extract %get3A_60[0, 0] : f32 from vector<1x1xf32>
    %mul3A_62 = vector.broadcast %get3A_61 : f32 to vector<8192xf32>
    %mul3A_63 = arith.mulf %get3A_57, %mul3A_62 : vector<8192xf32>
    %add3A_64 = arith.addf %add3A_40, %mul3A_63 : vector<8192xf32>
    %get3A_65 = arith.constant 2 : index
    %get3A_66 = arith.constant 1 : index
    %get3A_67 = arith.constant 0 : index
    %get3A_68 = vector.load %arg2[%get3A_65, %get3A_66, %get3A_67] : memref<16x2x8192xf32, #tpu.memory_space<vmem>>, vector<1x1x8192xf32>
    %get3A_69 = vector.shape_cast %get3A_68 : vector<1x1x8192xf32> to vector<8192xf32>
    %get3A_70 = arith.constant 0 : index
    %get3A_71 = arith.constant 2 : index
    %get3A_72 = vector.load %arg1[%get3A_70, %get3A_71] : memref<1x16xf32, #tpu.memory_space<vmem>>, vector<1x1xf32>
    %get3A_73 = vector.extract %get3A_72[0, 0] : f32 from vector<1x1xf32>
    %mul3A_74 = vector.broadcast %get3A_73 : f32 to vector<8192xf32>
    %mul3A_75 = arith.mulf %get3A_69, %mul3A_74 : vector<8192xf32>
    %add3A_76 = arith.addf %add3A_52, %mul3A_75 : vector<8192xf32>
    %get3A_77 = arith.constant 3 : index
    %get3A_78 = arith.constant 0 : index
    %get3A_79 = arith.constant 0 : index
    %get3A_80 = vector.load %arg2[%get3A_77, %get3A_78, %get3A_79] : memref<16x2x8192xf32, #tpu.memory_space<vmem>>, vector<1x1x8192xf32>
    %get3A_81 = vector.shape_cast %get3A_80 : vector<1x1x8192xf32> to vector<8192xf32>
    %get3A_82 = arith.constant 0 : index
    %get3A_83 = arith.constant 3 : index
    %get3A_84 = vector.load %arg1[%get3A_82, %get3A_83] : memref<1x16xf32, #tpu.memory_space<vmem>>, vector<1x1xf32>
    %get3A_85 = vector.extract %get3A_84[0, 0] : f32 from vector<1x1xf32>
    %mul3A_86 = vector.broadcast %get3A_85 : f32 to vector<8192xf32>
    %mul3A_87 = arith.mulf %get3A_81, %mul3A_86 : vector<8192xf32>
    %add3A_88 = arith.addf %add3A_64, %mul3A_87 : vector<8192xf32>
    %get3A_89 = arith.constant 3 : index
    %get3A_90 = arith.constant 1 : index
    %get3A_91 = arith.constant 0 : index
    %get3A_92 = vector.load %arg2[%get3A_89, %get3A_90, %get3A_91] : memref<16x2x8192xf32, #tpu.memory_space<vmem>>, vector<1x1x8192xf32>
    %get3A_93 = vector.shape_cast %get3A_92 : vector<1x1x8192xf32> to vector<8192xf32>
    %get3A_94 = arith.constant 0 : index
    %get3A_95 = arith.constant 3 : index
    %get3A_96 = vector.load %arg1[%get3A_94, %get3A_95] : memref<1x16xf32, #tpu.memory_space<vmem>>, vector<1x1xf32>
    %get3A_97 = vector.extract %get3A_96[0, 0] : f32 from vector<1x1xf32>
    %mul3A_98 = vector.broadcast %get3A_97 : f32 to vector<8192xf32>
    %mul3A_99 = arith.mulf %get3A_93, %mul3A_98 : vector<8192xf32>
    %add3A_100 = arith.addf %add3A_76, %mul3A_99 : vector<8192xf32>
    %get3A_101 = arith.constant 4 : index
    %get3A_102 = arith.constant 0 : index
    %get3A_103 = arith.constant 0 : index
    %get3A_104 = vector.load %arg2[%get3A_101, %get3A_102, %get3A_103] : memref<16x2x8192xf32, #tpu.memory_space<vmem>>, vector<1x1x8192xf32>
    %get3A_105 = vector.shape_cast %get3A_104 : vector<1x1x8192xf32> to vector<8192xf32>
    %get3A_106 = arith.constant 0 : index
    %get3A_107 = arith.constant 4 : index
    %get3A_108 = vector.load %arg1[%get3A_106, %get3A_107] : memref<1x16xf32, #tpu.memory_space<vmem>>, vector<1x1xf32>
    %get3A_109 = vector.extract %get3A_108[0, 0] : f32 from vector<1x1xf32>
    %mul3A_110 = vector.broadcast %get3A_109 : f32 to vector<8192xf32>
    %mul3A_111 = arith.mulf %get3A_105, %mul3A_110 : vector<8192xf32>
    %add3A_112 = arith.addf %add3A_88, %mul3A_111 : vector<8192xf32>
    %get3A_113 = arith.constant 4 : index
    %get3A_114 = arith.constant 1 : index
    %get3A_115 = arith.constant 0 : index
    %get3A_116 = vector.load %arg2[%get3A_113, %get3A_114, %get3A_115] : memref<16x2x8192xf32, #tpu.memory_space<vmem>>, vector<1x1x8192xf32>
    %get3A_117 = vector.shape_cast %get3A_116 : vector<1x1x8192xf32> to vector<8192xf32>
    %get3A_118 = arith.constant 0 : index
    %get3A_119 = arith.constant 4 : index
    %get3A_120 = vector.load %arg1[%get3A_118, %get3A_119] : memref<1x16xf32, #tpu.memory_space<vmem>>, vector<1x1xf32>
    %get3A_121 = vector.extract %get3A_120[0, 0] : f32 from vector<1x1xf32>
    %mul3A_122 = vector.broadcast %get3A_121 : f32 to vector<8192xf32>
    %mul3A_123 = arith.mulf %get3A_117, %mul3A_122 : vector<8192xf32>
    %add3A_124 = arith.addf %add3A_100, %mul3A_123 : vector<8192xf32>
    %get3A_125 = arith.constant 5 : index
    %get3A_126 = arith.constant 0 : index
    %get3A_127 = arith.constant 0 : index
    %get3A_128 = vector.load %arg2[%get3A_125, %get3A_126, %get3A_127] : memref<16x2x8192xf32, #tpu.memory_space<vmem>>, vector<1x1x8192xf32>
    %get3A_129 = vector.shape_cast %get3A_128 : vector<1x1x8192xf32> to vector<8192xf32>
    %get3A_130 = arith.constant 0 : index
    %get3A_131 = arith.constant 5 : index
    %get3A_132 = vector.load %arg1[%get3A_130, %get3A_131] : memref<1x16xf32, #tpu.memory_space<vmem>>, vector<1x1xf32>
    %get3A_133 = vector.extract %get3A_132[0, 0] : f32 from vector<1x1xf32>
    %mul3A_134 = vector.broadcast %get3A_133 : f32 to vector<8192xf32>
    %mul3A_135 = arith.mulf %get3A_129, %mul3A_134 : vector<8192xf32>
    %add3A_136 = arith.addf %add3A_112, %mul3A_135 : vector<8192xf32>
    %get3A_137 = arith.constant 5 : index
    %get3A_138 = arith.constant 1 : index
    %get3A_139 = arith.constant 0 : index
    %get3A_140 = vector.load %arg2[%get3A_137, %get3A_138, %get3A_139] : memref<16x2x8192xf32, #tpu.memory_space<vmem>>, vector<1x1x8192xf32>
    %get3A_141 = vector.shape_cast %get3A_140 : vector<1x1x8192xf32> to vector<8192xf32>
    %get3A_142 = arith.constant 0 : index
    %get3A_143 = arith.constant 5 : index
    %get3A_144 = vector.load %arg1[%get3A_142, %get3A_143] : memref<1x16xf32, #tpu.memory_space<vmem>>, vector<1x1xf32>
    %get3A_145 = vector.extract %get3A_144[0, 0] : f32 from vector<1x1xf32>
    %mul3A_146 = vector.broadcast %get3A_145 : f32 to vector<8192xf32>
    %mul3A_147 = arith.mulf %get3A_141, %mul3A_146 : vector<8192xf32>
    %add3A_148 = arith.addf %add3A_124, %mul3A_147 : vector<8192xf32>
    %get3A_149 = arith.constant 6 : index
    %get3A_150 = arith.constant 0 : index
    %get3A_151 = arith.constant 0 : index
    %get3A_152 = vector.load %arg2[%get3A_149, %get3A_150, %get3A_151] : memref<16x2x8192xf32, #tpu.memory_space<vmem>>, vector<1x1x8192xf32>
    %get3A_153 = vector.shape_cast %get3A_152 : vector<1x1x8192xf32> to vector<8192xf32>
    %get3A_154 = arith.constant 0 : index
    %get3A_155 = arith.constant 6 : index
    %get3A_156 = vector.load %arg1[%get3A_154, %get3A_155] : memref<1x16xf32, #tpu.memory_space<vmem>>, vector<1x1xf32>
    %get3A_157 = vector.extract %get3A_156[0, 0] : f32 from vector<1x1xf32>
    %mul3A_158 = vector.broadcast %get3A_157 : f32 to vector<8192xf32>
    %mul3A_159 = arith.mulf %get3A_153, %mul3A_158 : vector<8192xf32>
    %add3A_160 = arith.addf %add3A_136, %mul3A_159 : vector<8192xf32>
    %get3A_161 = arith.constant 6 : index
    %get3A_162 = arith.constant 1 : index
    %get3A_163 = arith.constant 0 : index
    %get3A_164 = vector.load %arg2[%get3A_161, %get3A_162, %get3A_163] : memref<16x2x8192xf32, #tpu.memory_space<vmem>>, vector<1x1x8192xf32>
    %get3A_165 = vector.shape_cast %get3A_164 : vector<1x1x8192xf32> to vector<8192xf32>
    %get3A_166 = arith.constant 0 : index
    %get3A_167 = arith.constant 6 : index
    %get3A_168 = vector.load %arg1[%get3A_166, %get3A_167] : memref<1x16xf32, #tpu.memory_space<vmem>>, vector<1x1xf32>
    %get3A_169 = vector.extract %get3A_168[0, 0] : f32 from vector<1x1xf32>
    %mul3A_170 = vector.broadcast %get3A_169 : f32 to vector<8192xf32>
    %mul3A_171 = arith.mulf %get3A_165, %mul3A_170 : vector<8192xf32>
    %add3A_172 = arith.addf %add3A_148, %mul3A_171 : vector<8192xf32>
    %get3A_173 = arith.constant 7 : index
    %get3A_174 = arith.constant 0 : index
    %get3A_175 = arith.constant 0 : index
    %get3A_176 = vector.load %arg2[%get3A_173, %get3A_174, %get3A_175] : memref<16x2x8192xf32, #tpu.memory_space<vmem>>, vector<1x1x8192xf32>
    %get3A_177 = vector.shape_cast %get3A_176 : vector<1x1x8192xf32> to vector<8192xf32>
    %get3A_178 = arith.constant 0 : index
    %get3A_179 = arith.constant 7 : index
    %get3A_180 = vector.load %arg1[%get3A_178, %get3A_179] : memref<1x16xf32, #tpu.memory_space<vmem>>, vector<1x1xf32>
    %get3A_181 = vector.extract %get3A_180[0, 0] : f32 from vector<1x1xf32>
    %mul3A_182 = vector.broadcast %get3A_181 : f32 to vector<8192xf32>
    %mul3A_183 = arith.mulf %get3A_177, %mul3A_182 : vector<8192xf32>
    %add3A_184 = arith.addf %add3A_160, %mul3A_183 : vector<8192xf32>
    %get3A_185 = arith.constant 7 : index
    %get3A_186 = arith.constant 1 : index
    %get3A_187 = arith.constant 0 : index
    %get3A_188 = vector.load %arg2[%get3A_185, %get3A_186, %get3A_187] : memref<16x2x8192xf32, #tpu.memory_space<vmem>>, vector<1x1x8192xf32>
    %get3A_189 = vector.shape_cast %get3A_188 : vector<1x1x8192xf32> to vector<8192xf32>
    %get3A_190 = arith.constant 0 : index
    %get3A_191 = arith.constant 7 : index
    %get3A_192 = vector.load %arg1[%get3A_190, %get3A_191] : memref<1x16xf32, #tpu.memory_space<vmem>>, vector<1x1xf32>
    %get3A_193 = vector.extract %get3A_192[0, 0] : f32 from vector<1x1xf32>
    %mul3A_194 = vector.broadcast %get3A_193 : f32 to vector<8192xf32>
    %mul3A_195 = arith.mulf %get3A_189, %mul3A_194 : vector<8192xf32>
    %add3A_196 = arith.addf %add3A_172, %mul3A_195 : vector<8192xf32>
    %get3A_197 = arith.constant 8 : index
    %get3A_198 = arith.constant 0 : index
    %get3A_199 = arith.constant 0 : index
    %get3A_200 = vector.load %arg2[%get3A_197, %get3A_198, %get3A_199] : memref<16x2x8192xf32, #tpu.memory_space<vmem>>, vector<1x1x8192xf32>
    %get3A_201 = vector.shape_cast %get3A_200 : vector<1x1x8192xf32> to vector<8192xf32>
    %get3A_202 = arith.constant 0 : index
    %get3A_203 = arith.constant 8 : index
    %get3A_204 = vector.load %arg1[%get3A_202, %get3A_203] : memref<1x16xf32, #tpu.memory_space<vmem>>, vector<1x1xf32>
    %get3A_205 = vector.extract %get3A_204[0, 0] : f32 from vector<1x1xf32>
    %mul3A_206 = vector.broadcast %get3A_205 : f32 to vector<8192xf32>
    %mul3A_207 = arith.mulf %get3A_201, %mul3A_206 : vector<8192xf32>
    %add3A_208 = arith.addf %add3A_184, %mul3A_207 : vector<8192xf32>
    %get3A_209 = arith.constant 8 : index
    %get3A_210 = arith.constant 1 : index
    %get3A_211 = arith.constant 0 : index
    %get3A_212 = vector.load %arg2[%get3A_209, %get3A_210, %get3A_211] : memref<16x2x8192xf32, #tpu.memory_space<vmem>>, vector<1x1x8192xf32>
    %get3A_213 = vector.shape_cast %get3A_212 : vector<1x1x8192xf32> to vector<8192xf32>
    %get3A_214 = arith.constant 0 : index
    %get3A_215 = arith.constant 8 : index
    %get3A_216 = vector.load %arg1[%get3A_214, %get3A_215] : memref<1x16xf32, #tpu.memory_space<vmem>>, vector<1x1xf32>
    %get3A_217 = vector.extract %get3A_216[0, 0] : f32 from vector<1x1xf32>
    %mul3A_218 = vector.broadcast %get3A_217 : f32 to vector<8192xf32>
    %mul3A_219 = arith.mulf %get3A_213, %mul3A_218 : vector<8192xf32>
    %add3A_220 = arith.addf %add3A_196, %mul3A_219 : vector<8192xf32>
    %get3A_221 = arith.constant 9 : index
    %get3A_222 = arith.constant 0 : index
    %get3A_223 = arith.constant 0 : index
    %get3A_224 = vector.load %arg2[%get3A_221, %get3A_222, %get3A_223] : memref<16x2x8192xf32, #tpu.memory_space<vmem>>, vector<1x1x8192xf32>
    %get3A_225 = vector.shape_cast %get3A_224 : vector<1x1x8192xf32> to vector<8192xf32>
    %get3A_226 = arith.constant 0 : index
    %get3A_227 = arith.constant 9 : index
    %get3A_228 = vector.load %arg1[%get3A_226, %get3A_227] : memref<1x16xf32, #tpu.memory_space<vmem>>, vector<1x1xf32>
    %get3A_229 = vector.extract %get3A_228[0, 0] : f32 from vector<1x1xf32>
    %mul3A_230 = vector.broadcast %get3A_229 : f32 to vector<8192xf32>
    %mul3A_231 = arith.mulf %get3A_225, %mul3A_230 : vector<8192xf32>
    %add3A_232 = arith.addf %add3A_208, %mul3A_231 : vector<8192xf32>
    %get3A_233 = arith.constant 9 : index
    %get3A_234 = arith.constant 1 : index
    %get3A_235 = arith.constant 0 : index
    %get3A_236 = vector.load %arg2[%get3A_233, %get3A_234, %get3A_235] : memref<16x2x8192xf32, #tpu.memory_space<vmem>>, vector<1x1x8192xf32>
    %get3A_237 = vector.shape_cast %get3A_236 : vector<1x1x8192xf32> to vector<8192xf32>
    %get3A_238 = arith.constant 0 : index
    %get3A_239 = arith.constant 9 : index
    %get3A_240 = vector.load %arg1[%get3A_238, %get3A_239] : memref<1x16xf32, #tpu.memory_space<vmem>>, vector<1x1xf32>
    %get3A_241 = vector.extract %get3A_240[0, 0] : f32 from vector<1x1xf32>
    %mul3A_242 = vector.broadcast %get3A_241 : f32 to vector<8192xf32>
    %mul3A_243 = arith.mulf %get3A_237, %mul3A_242 : vector<8192xf32>
    %add3A_244 = arith.addf %add3A_220, %mul3A_243 : vector<8192xf32>
    %get3A_245 = arith.constant 10 : index
    %get3A_246 = arith.constant 0 : index
    %get3A_247 = arith.constant 0 : index
    %get3A_248 = vector.load %arg2[%get3A_245, %get3A_246, %get3A_247] : memref<16x2x8192xf32, #tpu.memory_space<vmem>>, vector<1x1x8192xf32>
    %get3A_249 = vector.shape_cast %get3A_248 : vector<1x1x8192xf32> to vector<8192xf32>
    %get3A_250 = arith.constant 0 : index
    %get3A_251 = arith.constant 10 : index
    %get3A_252 = vector.load %arg1[%get3A_250, %get3A_251] : memref<1x16xf32, #tpu.memory_space<vmem>>, vector<1x1xf32>
    %get3A_253 = vector.extract %get3A_252[0, 0] : f32 from vector<1x1xf32>
    %mul3A_254 = vector.broadcast %get3A_253 : f32 to vector<8192xf32>
    %mul3A_255 = arith.mulf %get3A_249, %mul3A_254 : vector<8192xf32>
    %add3A_256 = arith.addf %add3A_232, %mul3A_255 : vector<8192xf32>
    %get3A_257 = arith.constant 10 : index
    %get3A_258 = arith.constant 1 : index
    %get3A_259 = arith.constant 0 : index
    %get3A_260 = vector.load %arg2[%get3A_257, %get3A_258, %get3A_259] : memref<16x2x8192xf32, #tpu.memory_space<vmem>>, vector<1x1x8192xf32>
    %get3A_261 = vector.shape_cast %get3A_260 : vector<1x1x8192xf32> to vector<8192xf32>
    %get3A_262 = arith.constant 0 : index
    %get3A_263 = arith.constant 10 : index
    %get3A_264 = vector.load %arg1[%get3A_262, %get3A_263] : memref<1x16xf32, #tpu.memory_space<vmem>>, vector<1x1xf32>
    %get3A_265 = vector.extract %get3A_264[0, 0] : f32 from vector<1x1xf32>
    %mul3A_266 = vector.broadcast %get3A_265 : f32 to vector<8192xf32>
    %mul3A_267 = arith.mulf %get3A_261, %mul3A_266 : vector<8192xf32>
    %add3A_268 = arith.addf %add3A_244, %mul3A_267 : vector<8192xf32>
    %get3A_269 = arith.constant 11 : index
    %get3A_270 = arith.constant 0 : index
    %get3A_271 = arith.constant 0 : index
    %get3A_272 = vector.load %arg2[%get3A_269, %get3A_270, %get3A_271] : memref<16x2x8192xf32, #tpu.memory_space<vmem>>, vector<1x1x8192xf32>
    %get3A_273 = vector.shape_cast %get3A_272 : vector<1x1x8192xf32> to vector<8192xf32>
    %get3A_274 = arith.constant 0 : index
    %get3A_275 = arith.constant 11 : index
    %get3A_276 = vector.load %arg1[%get3A_274, %get3A_275] : memref<1x16xf32, #tpu.memory_space<vmem>>, vector<1x1xf32>
    %get3A_277 = vector.extract %get3A_276[0, 0] : f32 from vector<1x1xf32>
    %mul3A_278 = vector.broadcast %get3A_277 : f32 to vector<8192xf32>
    %mul3A_279 = arith.mulf %get3A_273, %mul3A_278 : vector<8192xf32>
    %add3A_280 = arith.addf %add3A_256, %mul3A_279 : vector<8192xf32>
    %get3A_281 = arith.constant 11 : index
    %get3A_282 = arith.constant 1 : index
    %get3A_283 = arith.constant 0 : index
    %get3A_284 = vector.load %arg2[%get3A_281, %get3A_282, %get3A_283] : memref<16x2x8192xf32, #tpu.memory_space<vmem>>, vector<1x1x8192xf32>
    %get3A_285 = vector.shape_cast %get3A_284 : vector<1x1x8192xf32> to vector<8192xf32>
    %get3A_286 = arith.constant 0 : index
    %get3A_287 = arith.constant 11 : index
    %get3A_288 = vector.load %arg1[%get3A_286, %get3A_287] : memref<1x16xf32, #tpu.memory_space<vmem>>, vector<1x1xf32>
    %get3A_289 = vector.extract %get3A_288[0, 0] : f32 from vector<1x1xf32>
    %mul3A_290 = vector.broadcast %get3A_289 : f32 to vector<8192xf32>
    %mul3A_291 = arith.mulf %get3A_285, %mul3A_290 : vector<8192xf32>
    %add3A_292 = arith.addf %add3A_268, %mul3A_291 : vector<8192xf32>
    %get3A_293 = arith.constant 12 : index
    %get3A_294 = arith.constant 0 : index
    %get3A_295 = arith.constant 0 : index
    %get3A_296 = vector.load %arg2[%get3A_293, %get3A_294, %get3A_295] : memref<16x2x8192xf32, #tpu.memory_space<vmem>>, vector<1x1x8192xf32>
    %get3A_297 = vector.shape_cast %get3A_296 : vector<1x1x8192xf32> to vector<8192xf32>
    %get3A_298 = arith.constant 0 : index
    %get3A_299 = arith.constant 12 : index
    %get3A_300 = vector.load %arg1[%get3A_298, %get3A_299] : memref<1x16xf32, #tpu.memory_space<vmem>>, vector<1x1xf32>
    %get3A_301 = vector.extract %get3A_300[0, 0] : f32 from vector<1x1xf32>
    %mul3A_302 = vector.broadcast %get3A_301 : f32 to vector<8192xf32>
    %mul3A_303 = arith.mulf %get3A_297, %mul3A_302 : vector<8192xf32>
    %add3A_304 = arith.addf %add3A_280, %mul3A_303 : vector<8192xf32>
    %get3A_305 = arith.constant 12 : index
    %get3A_306 = arith.constant 1 : index
    %get3A_307 = arith.constant 0 : index
    %get3A_308 = vector.load %arg2[%get3A_305, %get3A_306, %get3A_307] : memref<16x2x8192xf32, #tpu.memory_space<vmem>>, vector<1x1x8192xf32>
    %get3A_309 = vector.shape_cast %get3A_308 : vector<1x1x8192xf32> to vector<8192xf32>
    %get3A_310 = arith.constant 0 : index
    %get3A_311 = arith.constant 12 : index
    %get3A_312 = vector.load %arg1[%get3A_310, %get3A_311] : memref<1x16xf32, #tpu.memory_space<vmem>>, vector<1x1xf32>
    %get3A_313 = vector.extract %get3A_312[0, 0] : f32 from vector<1x1xf32>
    %mul3A_314 = vector.broadcast %get3A_313 : f32 to vector<8192xf32>
    %mul3A_315 = arith.mulf %get3A_309, %mul3A_314 : vector<8192xf32>
    %add3A_316 = arith.addf %add3A_292, %mul3A_315 : vector<8192xf32>
    %get3A_317 = arith.constant 13 : index
    %get3A_318 = arith.constant 0 : index
    %get3A_319 = arith.constant 0 : index
    %get3A_320 = vector.load %arg2[%get3A_317, %get3A_318, %get3A_319] : memref<16x2x8192xf32, #tpu.memory_space<vmem>>, vector<1x1x8192xf32>
    %get3A_321 = vector.shape_cast %get3A_320 : vector<1x1x8192xf32> to vector<8192xf32>
    %get3A_322 = arith.constant 0 : index
    %get3A_323 = arith.constant 13 : index
    %get3A_324 = vector.load %arg1[%get3A_322, %get3A_323] : memref<1x16xf32, #tpu.memory_space<vmem>>, vector<1x1xf32>
    %get3A_325 = vector.extract %get3A_324[0, 0] : f32 from vector<1x1xf32>
    %mul3A_326 = vector.broadcast %get3A_325 : f32 to vector<8192xf32>
    %mul3A_327 = arith.mulf %get3A_321, %mul3A_326 : vector<8192xf32>
    %add3A_328 = arith.addf %add3A_304, %mul3A_327 : vector<8192xf32>
    %get3A_329 = arith.constant 13 : index
    %get3A_330 = arith.constant 1 : index
    %get3A_331 = arith.constant 0 : index
    %get3A_332 = vector.load %arg2[%get3A_329, %get3A_330, %get3A_331] : memref<16x2x8192xf32, #tpu.memory_space<vmem>>, vector<1x1x8192xf32>
    %get3A_333 = vector.shape_cast %get3A_332 : vector<1x1x8192xf32> to vector<8192xf32>
    %get3A_334 = arith.constant 0 : index
    %get3A_335 = arith.constant 13 : index
    %get3A_336 = vector.load %arg1[%get3A_334, %get3A_335] : memref<1x16xf32, #tpu.memory_space<vmem>>, vector<1x1xf32>
    %get3A_337 = vector.extract %get3A_336[0, 0] : f32 from vector<1x1xf32>
    %mul3A_338 = vector.broadcast %get3A_337 : f32 to vector<8192xf32>
    %mul3A_339 = arith.mulf %get3A_333, %mul3A_338 : vector<8192xf32>
    %add3A_340 = arith.addf %add3A_316, %mul3A_339 : vector<8192xf32>
    %get3A_341 = arith.constant 14 : index
    %get3A_342 = arith.constant 0 : index
    %get3A_343 = arith.constant 0 : index
    %get3A_344 = vector.load %arg2[%get3A_341, %get3A_342, %get3A_343] : memref<16x2x8192xf32, #tpu.memory_space<vmem>>, vector<1x1x8192xf32>
    %get3A_345 = vector.shape_cast %get3A_344 : vector<1x1x8192xf32> to vector<8192xf32>
    %get3A_346 = arith.constant 0 : index
    %get3A_347 = arith.constant 14 : index
    %get3A_348 = vector.load %arg1[%get3A_346, %get3A_347] : memref<1x16xf32, #tpu.memory_space<vmem>>, vector<1x1xf32>
    %get3A_349 = vector.extract %get3A_348[0, 0] : f32 from vector<1x1xf32>
    %mul3A_350 = vector.broadcast %get3A_349 : f32 to vector<8192xf32>
    %mul3A_351 = arith.mulf %get3A_345, %mul3A_350 : vector<8192xf32>
    %add3A_352 = arith.addf %add3A_328, %mul3A_351 : vector<8192xf32>
    %get3A_353 = arith.constant 14 : index
    %get3A_354 = arith.constant 1 : index
    %get3A_355 = arith.constant 0 : index
    %get3A_356 = vector.load %arg2[%get3A_353, %get3A_354, %get3A_355] : memref<16x2x8192xf32, #tpu.memory_space<vmem>>, vector<1x1x8192xf32>
    %get3A_357 = vector.shape_cast %get3A_356 : vector<1x1x8192xf32> to vector<8192xf32>
    %get3A_358 = arith.constant 0 : index
    %get3A_359 = arith.constant 14 : index
    %get3A_360 = vector.load %arg1[%get3A_358, %get3A_359] : memref<1x16xf32, #tpu.memory_space<vmem>>, vector<1x1xf32>
    %get3A_361 = vector.extract %get3A_360[0, 0] : f32 from vector<1x1xf32>
    %mul3A_362 = vector.broadcast %get3A_361 : f32 to vector<8192xf32>
    %mul3A_363 = arith.mulf %get3A_357, %mul3A_362 : vector<8192xf32>
    %add3A_364 = arith.addf %add3A_340, %mul3A_363 : vector<8192xf32>
    %get3A_365 = arith.constant 15 : index
    %get3A_366 = arith.constant 0 : index
    %get3A_367 = arith.constant 0 : index
    %get3A_368 = vector.load %arg2[%get3A_365, %get3A_366, %get3A_367] : memref<16x2x8192xf32, #tpu.memory_space<vmem>>, vector<1x1x8192xf32>
    %get3A_369 = vector.shape_cast %get3A_368 : vector<1x1x8192xf32> to vector<8192xf32>
    %get3A_370 = arith.constant 0 : index
    %get3A_371 = arith.constant 15 : index
    %get3A_372 = vector.load %arg1[%get3A_370, %get3A_371] : memref<1x16xf32, #tpu.memory_space<vmem>>, vector<1x1xf32>
    %get3A_373 = vector.extract %get3A_372[0, 0] : f32 from vector<1x1xf32>
    %mul3A_374 = vector.broadcast %get3A_373 : f32 to vector<8192xf32>
    %mul3A_375 = arith.mulf %get3A_369, %mul3A_374 : vector<8192xf32>
    %add3A_376 = arith.addf %add3A_352, %mul3A_375 : vector<8192xf32>
    %get3A_377 = arith.constant 15 : index
    %get3A_378 = arith.constant 1 : index
    %get3A_379 = arith.constant 0 : index
    %get3A_380 = vector.load %arg2[%get3A_377, %get3A_378, %get3A_379] : memref<16x2x8192xf32, #tpu.memory_space<vmem>>, vector<1x1x8192xf32>
    %get3A_381 = vector.shape_cast %get3A_380 : vector<1x1x8192xf32> to vector<8192xf32>
    %get3A_382 = arith.constant 0 : index
    %get3A_383 = arith.constant 15 : index
    %get3A_384 = vector.load %arg1[%get3A_382, %get3A_383] : memref<1x16xf32, #tpu.memory_space<vmem>>, vector<1x1xf32>
    %get3A_385 = vector.extract %get3A_384[0, 0] : f32 from vector<1x1xf32>
    %mul3A_386 = vector.broadcast %get3A_385 : f32 to vector<8192xf32>
    %mul3A_387 = arith.mulf %get3A_381, %mul3A_386 : vector<8192xf32>
    %add3A_388 = arith.addf %add3A_364, %mul3A_387 : vector<8192xf32>
    %swap3A = arith.constant 0 : index
    %swap3A_389 = vector.load %arg4[%swap3A] : memref<8192xf32, #tpu.memory_space<vmem>>, vector<8192xf32>
    tpu.vector_store %arg4[%swap3A], %add3A_376 {strides = array<i32>} : memref<8192xf32, #tpu.memory_space<vmem>>, vector<8192xf32>,
    %swap3A_390 = arith.constant 0 : index
    %swap3A_391 = vector.load %arg5[%swap3A_390] : memref<8192xf32, #tpu.memory_space<vmem>>, vector<8192xf32>
    tpu.vector_store %arg5[%swap3A_390], %add3A_388 {strides = array<i32>} : memref<8192xf32, #tpu.memory_space<vmem>>, vector<8192xf32>,
    return
  }
  func.func @transform_0(%arg0: i32) -> (i32, i32) {
    %c0_i32 = arith.constant 0 : i32
    %c0_i32_0 = arith.constant 0 : i32
    %c0_i32_1 = arith.constant 0 : i32
    return %c0_i32, %c0_i32_0 : i32, i32
  }
  func.func @transform_1(%arg0: i32) -> (i32, i32, i32) {
    %c0_i32 = arith.constant 0 : i32
    %c0_i32_0 = arith.constant 0 : i32
    %c0_i32_1 = arith.constant 0 : i32
    return %c0_i32, %c0_i32_0, %arg0 : i32, i32, i32
  }
  func.func @transform_2(%arg0: i32) -> (i32, i32) {
    %c0_i32 = arith.constant 0 : i32
    %c0_i32_0 = arith.constant 0 : i32
    return %c0_i32, %arg0 : i32, i32
  }
  func.func @transform_3(%arg0: i32) -> i32 {
    %c0_i32 = arith.constant 0 : i32
    return %arg0 : i32
  }
  func.func @transform_4(%arg0: i32) -> i32 {
    %c0_i32 = arith.constant 0 : i32
    return %arg0 : i32
  }
}

</mosaic_0001>

<sc_bundles>
// kernel: kernel.4.cloned.1.call-start
scs
__scs_entry_jumppad:
0x0: {  	(pc) =	sbr.rel $0x88, $3  }
0x1: {  	(tag) =	ssettag $0x0;
	lr =	simm.s32 $0x1  }
0x2: {  	[smem:$0x3F9E] =	sst lr;
	_ =	strace $0xD0000000  }
0x3: {  	_ = 	snop  }
0x4: {  	_ = 	snop  }
0x5: {  	_ = 	snop  }
0x6: {  	_ = 	snop  }
0x7: {  	_ = 	snop  }
__scs_overlays_trampoline_lowered:
0x8: {  	[smem:$0x3FAD] =	sst s0  }
0x9: {  	[smem:$0x3FAE] =	sst s1  }
0xa: {  	[smem:$0x3FAF] =	sst s2  }
0xb: {  	[smem:$0x3FB0] =	sst s3  }
0xc: {  	[smem:$0x3FB1] =	sst s4  }
0xd: {  	[smem:$0x3FB2] =	sst s5  }
0xe: {  	[smem:$0x3FB3] =	sst s6  }
0xf: {  	[smem:$0x3FB4] =	sst s7  }
0x10: {  	[smem:$0x3FB5] =	sst s8  }
0x11: {  	[smem:$0x3FB6] =	sst s9;
	s0 =	simm.s32 @!p0 $0x0  }
0x12: {  	s1 =	sld [smem:$0x3F9C];
	s0 =	simm.s32 @p0 $0x1  }
0x13: {  	[smem:$0x3FB7] =	sst s0;
	s0 =	simm.s32 @!p1 $0x0  }
0x14: {  	s2 =	sld [smem:$0x3F9B];
	s0 =	simm.s32 @p1 $0x1  }
0x15: {  	[smem:$0x3FB8] =	sst s0;
	s0 =	simm.s32 @!p2 $0x0  }
0x16: {  	s3 =	sld [smem:$0x3FDB];
	s0 =	simm.s32 @p2 $0x1  }
0x17: {  	s4 =	simm.s32 $0x1BF5;
	[smem:$0x3FBA] =	sst s0  }
0x18: {  	s0 =	sld [smem:$0x3F9D];
	_ =	swait.ge [sflag:s4], $0x0  }
0x19: {  	s7 =	sld [smem:$0x3F9E]  }
0x1a: {  	s8 =	sadd.s32 $0xFFFFE003, lr  }
0x1b: {  	s9 =	sadd.s32 $0xFFFFFEF7, lr;
	s5 =	simm.s32 $0xFFFFFFFF;
	p2 =	slt.u32 s8, $0xFFFFF086  }
0x1c: {  	p1 =	slt.u32 s9, $0xF7A;
	s5 =	simm.s32 @!p2 $0x0  }
0x1d: {  	s5 =	simm.s32 @p1 $0x1;
	p0 =	seq.s32 s7, s2  }
0x1e: {  	s7 =	smul.u32 @!p0 $0xF7A, s2;
	p2 =	seq.s32 @!p0 s5, $0x0  }
0x1f: {  	s9 =	smul.u32 $0xF7A, s1;
	s8 =	simm.s32 @!p0 $0x1BF5;
	p2 =	por !p2, p0  }
0x20: {  	[sflag:s8] =	ssyncset.s32 @!p0 $0xFFFFF086;
	s6 =	sadd.s32 @!p0 s3, s7;
	s7 =	simm.s32 @!p0 $0x108  }
0x21: {  	s3 =	sadd.s32 s3, s9;
	s6 =	sadd.s32 @!p0 $0x88, s6;
	s7 =	simm.s32 @p2 $0x1082  }
0x22: {  	[simem:s7], [sflag:s8] =	dma.local @!p0 [hbm:s6], $0xF7A  }
0x23: {  	s9 =	sor.u32 $0xD0000000, s2;
	s6 =	simm.s32 $0x108;
	_ =	swait.ge @!p0 [sflag:s8], $0x0  }
0x24: {  	s3 =	sadd.s32 $0x88, s3;
	s6 =	simm.s32 @!p1 $0x1082;
	[sflag:s4] =	ssyncset.s32 $0xFFFFF086  }
0x25: {  	[simem:s6], [sflag:s4] =	dma.local [hbm:s3], $0xF7A  }
0x26: {  	[smem:$0x3F9E] =	sst s1;
	(tag) =	ssettag s2;
	_ =	strace s9  }
0x27: {  	s1 =	sld [smem:$0x3FAE]  }
0x28: {  	s2 =	sld [smem:$0x3FAF]  }
0x29: {  	s4 =	sld [smem:$0x3FB1]  }
0x2a: {  	p0 =	seq.s32 s5, $0x0;
	s5 =	sld [smem:$0x3FB2]  }
0x2b: {  	s6 =	sld [smem:$0x3FB3]  }
0x2c: {  	s7 =	sld [smem:$0x3FB4]  }
0x2d: {  	s3 =	simm.s32 $0x108;
	s8 =	sld [smem:$0x3FB5]  }
0x2e: {  	s3 =	simm.s32 @!p0 $0x1082;
	s9 =	sld [smem:$0x3FB6]  }
0x2f: {  	lr =	sadd.s32 s0, s3;
	s0 =	sld [smem:$0x3FAD]  }
0x30: {  	s3 =	sld [smem:$0x3FB0]  }
0x31: {  	[smem:$0x3FB9] =	sst s10  }
0x32: {  	s10 =	sld [smem:$0x3FB7];
	_ =	sdelay $0x3  }
0x33: {  	p0 =	seq.s32 s10, $0x1;
	s10 =	sld [smem:$0x3FB9];
	_ =	sdelay $0x3  }
0x34: {  	[smem:$0x3FB9] =	sst s10  }
0x35: {  	s10 =	sld [smem:$0x3FB8];
	_ =	sdelay $0x3  }
0x36: {  	p1 =	seq.s32 s10, $0x1;
	s10 =	sld [smem:$0x3FB9];
	_ =	sdelay $0x3  }
0x37: {  	[smem:$0x3FB9] =	sst s10  }
0x38: {  	s10 =	sld [smem:$0x3FBA]  }
0x39: {  	_ = 	snop;
	(pc) =	sbr.ind lr, $3  }
0x3a: {  	_ = 	snop  }
0x3b: {  	_ = 	snop  }
0x3c: {  	p2 =	seq.s32 s10, $0x1;
	s10 =	sld [smem:$0x3FB9]  }
0x3d: {  	_ =	shalt  }
0x3e: {  	_ =	shalt  }
0x3f: {  	_ =	shalt  }
0x40: {  	_ =	shalt  }
0x41: {  	_ =	shalt  }
0x42: {  	_ =	shalt  }
0x43: {  	_ =	shalt  }
0x44: {  	_ =	shalt  }
0x45: {  	_ =	shalt  }
0x46: {  	_ =	shalt  }
0x47: {  	_ =	shalt  }
0x48: {  	_ =	shalt  }
0x49: {  	_ =	shalt  }
0x4a: {  	_ =	shalt  }
0x4b: {  	_ =	shalt  }
0x4c: {  	_ =	shalt  }
0x4d: {  	_ =	shalt  }
0x4e: {  	_ =	shalt  }
0x4f: {  	_ =	shalt  }
0x50: {  	_ =	shalt  }
0x51: {  	_ =	shalt  }
0x52: {  	_ =	shalt  }
0x53: {  	_ =	shalt  }
0x54: {  	_ =	shalt  }
0x55: {  	_ =	shalt  }
0x56: {  	_ =	shalt  }
0x57: {  	_ =	shalt  }
0x58: {  	_ =	shalt  }
0x59: {  	_ =	shalt  }
0x5a: {  	_ =	shalt  }
0x5b: {  	_ =	shalt  }
0x5c: {  	_ =	shalt  }
0x5d: {  	_ =	shalt  }
0x5e: {  	_ =	shalt  }
0x5f: {  	_ =	shalt  }
0x60: {  	_ =	shalt  }
0x61: {  	_ =	shalt  }
0x62: {  	_ =	shalt  }
0x63: {  	_ =	shalt  }
0x64: {  	_ =	shalt  }
0x65: {  	_ =	shalt  }
0x66: {  	_ =	shalt  }
0x67: {  	_ =	shalt  }
0x68: {  	_ =	shalt  }
0x69: {  	_ =	shalt  }
0x6a: {  	_ =	shalt  }
0x6b: {  	_ =	shalt  }
0x6c: {  	_ =	shalt  }
0x6d: {  	_ =	shalt  }
0x6e: {  	_ =	shalt  }
0x6f: {  	_ =	shalt  }
0x70: {  	_ =	shalt  }
0x71: {  	_ =	shalt  }
0x72: {  	_ =	shalt  }
0x73: {  	_ =	shalt  }
0x74: {  	_ =	shalt  }
0x75: {  	_ =	shalt  }
0x76: {  	_ =	shalt  }
0x77: {  	_ =	shalt  }
0x78: {  	_ =	shalt  }
0x79: {  	_ =	shalt  }
0x7a: {  	_ =	shalt  }
0x7b: {  	_ =	shalt  }
0x7c: {  	_ =	shalt  }
0x7d: {  	_ =	shalt  }
0x7e: {  	_ =	shalt  }
0x7f: {  	_ =	shalt  }
0x80: {  	_ =	shalt  }
0x81: {  	_ =	shalt  }
0x82: {  	_ =	shalt  }
0x83: {  	_ =	shalt  }
0x84: {  	_ =	shalt  }
0x85: {  	_ =	shalt  }
0x86: {  	_ =	shalt  }
0x87: {  	_ =	shalt  }
.Lfunc_end0:
.L_simem_size_0:
called_computation_lowered:
.L_overlay_start_0:
0x88: {  	s2 =	sld [smem:$0x3FD9]  }
0x89: {  	s3 =	sld [smem:$0x3FFE];
	_ =	sdelay $0x1  }
0x8a: {  	s1 =	srdreg.scid  }
0x8b: {  	s0 =	sand.u32 $0x1, s1  }
0x8c: {  	s17 =	sshll.u32 s0, $0xA;
	s2 =	sadd.s32 s3, s2  }
0x8d: {  	s2 =	sadd.s32 s2, s17  }
0x8e: {  	[smem:$0x3FC5] =	sst s2  }
0x8f: {  	_ = 	snop  }
0x90: {  	s2 =	sld [smem:$0x3FD0];
	(tm) =	ssettm $0x1  }
0x91: {  	s18 =	sld [smem:$0x3FFB];
	_ =	sdelay $0x3  }
0x92: {  	_ =	strace s18  }
0x93: {  	s3 =	sld [smem:$0x3FFC];
	_ =	sdelay $0x3  }
0x94: {  	_ =	strace s3  }
0x95: {  	s3 =	sld [smem:$0x3FFD];
	_ =	sdelay $0x3  }
0x96: {  	_ =	strace s3  }
0x97: {  	_ =	strace $0x8FFFFFFF  }
0x98: {  	s19 =	sld [smem:$0x3FDB];
	_ =	sdelay $0x1  }
0x99: {  	s4 =	simm.s32 $_scs_section_size  }
0x9a: {  	s5 =	simm.s32 $_size__tile_overlayer_lowered;
	s6 =	simm.s32 $_tile_overlayer_lowered  }
0x9b: {  	s22 =	simm.s32 $0x1BFF;
	s21 =	sshll.u32 s6, $0x1;
	s3 =	sadd.s32 s4, s19  }
0x9c: {  	s7 =	simm.s32 $0x0;
	s20 =	sshll.u32 s5, $0x1;
	s5 =	sadd.s32 s21, s3  }
0x9d: {  	[timem:s7], [sflag:s22] =	dma.local [hbm:s5], s20  }
0x9e: {  	_ =	swait.ge [sflag:s22], s20  }
0x9f: {  	s4 =	ssub.s32 $0x0, s20;
	[sflag:s22] =	ssyncset.done $0x0  }
0xa0: {  	[sflag:s22] =	ssyncadd.s32 s4;
	_ =	sdelay $0x1  }
0xa1: {  	s23 =	simm.s32 $0x1B8B  }
0xa2: {  	_ =	swait.ge [sflag:s23], $0x1  }
0xa3: {  	[sflag:s23] =	ssyncset.done $0x0  }
0xa4: {  	s25 =	simm.s32 $0x1B8E;
	s24 =	sld [smem:$0x3FFE];
	[sflag:s23] =	ssyncadd.s32 $0xFFFFFFFF  }
0xa5: {  	s26 =	simm.s32 $execute0_lowered;
	[smem:$0x3FD2] =	sst s25  }
0xa6: {  	s5 =	sshll.u32 s26, $0x1;
	_ =	strace $0x80000046;
	[dreg:$0x1] =	wrdreg $0xFFFFFFFF  }
0xa7: {  	s28 =	simm.s32 $_size_execute0_lowered;
	s3 =	sadd.s32 s3, s5;
	[dreg:$0x0] =	wrdreg $0x0  }
0xa8: {  	s5 =	sshll.u32 s28, $0x1;
	[dreg:$0x2] =	wrdreg s3  }
0xa9: {  	[dreg:$0x3] =	wrdreg s5  }
0xaa: {  	[dreg:$0x4] =	wrdreg $0xC0  }
0xab: {  	_ =	task [dreg:s7], $0x5FFFF  }
0xac: {  	[dreg:$0x1] =	wrdreg $0xFFFFFFFF  }
0xad: {  	[dreg:$0x0] =	wrdreg $0x60  }
0xae: {  	[dreg:$0x2] =	wrdreg s2  }
0xaf: {  	[dreg:$0x3] =	wrdreg s24  }
0xb0: {  	[dreg:$0x4] =	wrdreg $0x9  }
0xb1: {  	_ =	task.clear_ibuf [dreg:s7], $0x5FFFF;
	_ =	strace $0x90000046  }
0xb2: {  	s29 =	simm.s32 $0x9;
	_ =	strace $0x80000048  }
0xb3: {  	_ =	swait.ge [sflag:s29], $0x1  }
0xb4: {  	[sflag:s29] =	ssyncadd.s32 $0xFFFFFFFF  }
0xb5: {  	_ =	strace $0x90000048  }
0xb6: {  	_ =	sfence  }
0xb7: {  	s30 =	sld [smem:$0x0];
	_ =	sdelay $0x2  }
0xb8: {  	s31 =	sshll.u32 s1, $0xD;
	s1 =	sshrl.u32 s1, $0x2  }
0xb9: {  	s3 =	sand.u32 $0x4000, s31;
	s1 =	sadd.s32 s1, s30  }
0xba: {  	s0 =	sor.u32 s3, s0;
	s1 =	sshll.u32 s1, $0x11  }
0xbb: {  	s0 =	sor.u32 s1, s0  }
0xbc: {  	s0 =	sadd.s32 $0x8F2B, s0  }
0xbd: {  	[sflag:s0] =	ssyncadd.remote.s32 $0x1  }
0xbe: {  	_ =	sfence.sel $0xFFFF  }
0xbf: {  	[dreg:$0x0] =	wrdreg $0xFFFFFFFF;
	(pc) =	sbr.abs _section_cstart, $3  }
0xc0: {  	[dreg:$0x1] =	wrdreg $0xFFFFFFFF  }
0xc1: {  	_ =	task.clear_ibuf [dreg:s7], $0x2FFFF;
	_ =	strace $0x9FFFFFFF  }
0xc2: {  	(tm) =	ssettm $0x7FFFFFFF  }
0xc3: {  	_ =	shalt  }
tec
execute0_lowered:
.L_overlay_start_1:
0x0: {  	(tag) =	ssettag $0x1  }
0x1: {  	s2 =	rddreg [dreg:$0x0];
	s1 =	srdreg.scid  }
0x2: {  	s0 =	stileid.u32;
	s5 =	rddreg [dreg:$0x1];
	s3 =	simm.s32 $0x0  }
0x3: {  	s9 =	simm.s32 $0x5;
	s10 =	simm.s32 $0x1100;
	s11 =	simm.s32 $0x880  }
0x4: {  	s12 =	simm.s32 $0x1980;
	s13 =	simm.s32 $0x1;
	s14 =	simm.s32 $0x2700  }
0x5: {  	s15 =	simm.s32 $0x2;
	s16 =	simm.s32 $0x4700;
	s17 =	simm.s32 $0x3  }
0x6: {  	s18 =	simm.s32 $0x4;
	s4 =	sand.u32 $0x1, s1;
	s6 =	sshll.u32 s0, $0x1  }
0x7: {  	s19 =	simm.s32 $0x0;
	s1 =	rddreg [dreg:$0x2];
	s6 =	sor.u32 s4, s6  }
0x8: {  	[smem:$0x7FF] =	sst s3;
	s7 =	ssub.s32 $0x2, s4;
	s6 =	smul.u32 $0x90, s6  }
0x9: {  	v0 =	vlaneseq.u32;
	_ =	strace $0x80000047;
	s4 =	sadd.s32 $0x1200, s5;
	s8 =	sshrl.u32 s7, $0x1  }
0xa: {  	v1 =	vor.u32 $0x10, v0;
	s7 =	ssub.s32 s7, s8;
	s8 =	simm.s32 $0x2200;
	s6 =	sadd.s32 s6, s5  }
0xb: {  	v2 =	vor.u32 $0x20, v0;
	v3 =	vor.u32 $0x30, v0;
	v4 =	vor.u32 $0x40, v0;
	s5 =	sadd.s32 $0x13400, s5;
	s7 =	smax.u32 s7, $0x1;
	s6 =	sadd.s32 $0x12200, s6  }
.LBB2_1:
0xc: {  	[tilespmem:s8], [sflag:$0x5] =	stream.linear.gather [hbm4b:s6+s3], $0x480, $0x38;
	[tilespmem:$0x6700] =	vst v63  }
0xd: {  	_ =	swait.ge [sflag:s9], $0x480  }
0xe: {  	[sflag:s9] =	ssyncset.done $0x0  }
0xf: {  	[sflag:s9] =	ssyncadd.s32 $0xFFFFFB80  }
0x10: {  	v5 =	vld [tilespmem:$0x2200];
	_ =	sdelay $0x4  }
0x11: {  	(v2sf) =	vpush v5, $0x0;
	_ =	sdelay $0xe  }
0x12: {  	s20 =	spop (v2sf)  }
0x13: {  	s20 =	sshrl.u32 s20, $0x3  }
0x14: {  	s21 =	sadd.s32 s2, s20  }
0x15: {  	[tilespmem:s3], [sflag:$0x1] =	stream.linear.gather [hbm4b:s21+s3], $0x830, $0x38;
	[tilespmem:$0x6700] =	vst v63  }
0x16: {  	s20 =	sadd.s32 s4, s20  }
0x17: {  	[tilespmem:s10], [sflag:$0x1] =	stream.linear.gather [hbm4b:s20+s3], $0x830, $0x38;
	[tilespmem:$0x6700] =	vst v63  }
0x18: {  	v5 =	vld [tilespmem:$0x2248];
	_ =	sdelay $0x4  }
0x19: {  	(v2sf) =	vpush v5, $0x0;
	_ =	sdelay $0xe  }
0x1a: {  	s30 =	spop (v2sf)  }
0x1b: {  	s20 =	sshrl.u32 s30, $0x3  }
0x1c: {  	s31 =	sadd.s32 s2, s20  }
0x1d: {  	[tilespmem:s11], [sflag:$0x2] =	stream.linear.gather [hbm4b:s31+s3], $0x830, $0x38;
	[tilespmem:$0x6700] =	vst v63  }
0x1e: {  	s20 =	sadd.s32 s4, s20  }
0x1f: {  	[tilespmem:s12], [sflag:$0x2] =	stream.linear.gather [hbm4b:s20+s3], $0x830, $0x38;
	[tilespmem:$0x6700] =	vst v63  }
0x20: {  	s22 =	simm.s32 $0x0;
	s21 =	simm.s32 $0x224A;
	s20 =	simm.s32 $0x2222  }
.LBB2_2:
0x21: {  	_ =	swait.ge [sflag:s13], $0x830  }
0x22: {  	[sflag:s13] =	ssyncset.done $0x0  }
0x23: {  	[sflag:s13] =	ssyncadd.s32 $0xFFFFF7D0  }
0x24: {  	_ =	swait.ge [sflag:s13], $0x830  }
0x25: {  	p1 =	seq.s32 s22, $0x0;
	v5 =	vmov s20;
	[sflag:s13] =	ssyncset.done $0x0  }
0x26: {  	s23 =	simm.s32 @!p1 $0x3;
	[sflag:s13] =	ssyncadd.s32 $0xFFFFF7D0  }
0x27: {  	_ =	swait.ge @!p1 [sflag:s23], $0x2000  }
0x28: {  	[sflag:s23] =	ssyncset.done @!p1 $0x0  }
0x29: {  	s26 =	simm.s32 $0xFFFFFFE0;
	[sflag:s23] =	ssyncadd.s32 @!p1 $0xFFFFE000  }
0x2a: {  	v6 =	vld.idx.msk [tilespmem:v5+s26+$0x0 ss:$0x1], $0xffff;
	_ =	sdelay $0x4  }
0x2b: {  	(v2sf) =	vpush v6, $0x0;
	_ =	sdelay $0xd  }
0x2c: {  	s29 =	sadd.s32 $0xFFFFFFE0, s20  }
0x2d: {  	v6 =	vld.msk [tilespmem:s29+$0x20 ss:$0x0], $0xffff;
	s30 =	spop (v2sf)  }
0x2e: {  	v7 =	vld [tilespmem:s30+$0x0];
	_ =	sdelay $0x3  }
0x2f: {  	vm0 =	vgt.s32 v6, v0  }
0x30: {  	s24 =	simm.s32 $0x2780;
	v7 =	vnsel vm0, $0x0, v7  }
0x31: {  	[tilespmem:s24+$0xFFFFFF80] =	vst v7  }
0x32: {  	v7 =	vld [tilespmem:s30+$0x10];
	_ =	sdelay $0x3  }
0x33: {  	vm1 =	vgt.s32 v6, v1  }
0x34: {  	v7 =	vnsel vm1, $0x0, v7  }
0x35: {  	[tilespmem:s24+$0xFFFFFF90] =	vst v7  }
0x36: {  	v7 =	vld [tilespmem:s30+$0x20];
	_ =	sdelay $0x3  }
0x37: {  	vm2 =	vgt.s32 v6, v2  }
0x38: {  	v7 =	vnsel vm2, $0x0, v7  }
0x39: {  	[tilespmem:s24+$0xFFFFFFA0] =	vst v7  }
0x3a: {  	v7 =	vld [tilespmem:s30+$0x30];
	_ =	sdelay $0x3  }
0x3b: {  	vm3 =	vgt.s32 v6, v3  }
0x3c: {  	v7 =	vnsel vm3, $0x0, v7  }
0x3d: {  	[tilespmem:s24+$0xFFFFFFB0] =	vst v7  }
0x3e: {  	v7 =	vld [tilespmem:s30+$0x40];
	_ =	sdelay $0x3  }
0x3f: {  	vm4 =	vgt.s32 v6, v4  }
0x40: {  	v6 =	vnsel vm4, $0x0, v7  }
0x41: {  	[tilespmem:s24+$0xFFFFFFC0] =	vst v6  }
0x42: {  	v6 =	vld [tilespmem:s30+$0x1100];
	_ =	sdelay $0x4  }
0x43: {  	v6 =	vnsel vm0, $0x0, v6  }
0x44: {  	[tilespmem:s24+$0x0] =	vst v6  }
0x45: {  	v6 =	vld [tilespmem:s30+$0x1110];
	_ =	sdelay $0x4  }
0x46: {  	v6 =	vnsel vm1, $0x0, v6  }
0x47: {  	[tilespmem:s24+$0x10] =	vst v6  }
0x48: {  	v6 =	vld [tilespmem:s30+$0x1120];
	_ =	sdelay $0x4  }
0x49: {  	v6 =	vnsel vm2, $0x0, v6  }
0x4a: {  	[tilespmem:s24+$0x20] =	vst v6  }
0x4b: {  	v6 =	vld [tilespmem:s30+$0x1130];
	_ =	sdelay $0x4  }
0x4c: {  	v6 =	vnsel vm3, $0x0, v6  }
0x4d: {  	[tilespmem:s24+$0x30] =	vst v6  }
0x4e: {  	v6 =	vld [tilespmem:s30+$0x1140];
	_ =	sdelay $0x2  }
0x4f: {  	s31 =	smul.u32 $0x240, s22;
	_ =	sdelay $0x1  }
0x50: {  	s25 =	simm.s32 $0xFFFFFF84;
	s28 =	simm.s32 $0xFFFFFF88;
	s23 =	sshra.s32 s31, $0x2;
	v6 =	vnsel vm4, $0x0, v6  }
.LBB2_3:
0x51: {  	s29 =	sshra.s32 s25, $0x2  }
0x52: {  	[tilespmem:s24+$0x40] =	vst v6;
	s24 =	sadd.s32 $0x100, s24;
	s25 =	smov.u32 s28;
	s26 =	sadd.s32 $0x4, s28  }
0x53: {  	p0 =	sne.s32 s28, $0xFFFFFFFC;
	s28 =	sadd.s32 s29, s20;
	v6 =	vld.idx.msk [tilespmem:v5+s29+$0x0 ss:$0x1], $0xffff;
	_ =	sdelay $0x5  }
0x54: {  	(v2sf) =	vpush v6, $0x0;
	_ =	sdelay $0xd  }
0x55: {  	v6 =	vld.msk [tilespmem:s28+$0x20 ss:$0x0], $0xffff  }
0x56: {  	s28 =	spop (v2sf)  }
0x57: {  	v7 =	vld [tilespmem:s28+$0x0];
	_ =	sdelay $0x3  }
0x58: {  	vm0 =	vgt.s32 v6, v0  }
0x59: {  	v7 =	vnsel vm0, $0x0, v7  }
0x5a: {  	[tilespmem:s24+$0xFFFFFF80] =	vst v7  }
0x5b: {  	v7 =	vld [tilespmem:s28+$0x10];
	_ =	sdelay $0x3  }
0x5c: {  	vm1 =	vgt.s32 v6, v1  }
0x5d: {  	v7 =	vnsel vm1, $0x0, v7  }
0x5e: {  	[tilespmem:s24+$0xFFFFFF90] =	vst v7  }
0x5f: {  	v7 =	vld [tilespmem:s28+$0x20];
	_ =	sdelay $0x3  }
0x60: {  	vm2 =	vgt.s32 v6, v2  }
0x61: {  	v7 =	vnsel vm2, $0x0, v7  }
0x62: {  	[tilespmem:s24+$0xFFFFFFA0] =	vst v7  }
0x63: {  	v7 =	vld [tilespmem:s28+$0x30];
	_ =	sdelay $0x3  }
0x64: {  	vm3 =	vgt.s32 v6, v3  }
0x65: {  	v7 =	vnsel vm3, $0x0, v7  }
0x66: {  	[tilespmem:s24+$0xFFFFFFB0] =	vst v7  }
0x67: {  	v7 =	vld [tilespmem:s28+$0x40];
	_ =	sdelay $0x3  }
0x68: {  	vm4 =	vgt.s32 v6, v4  }
0x69: {  	v6 =	vnsel vm4, $0x0, v7  }
0x6a: {  	[tilespmem:s24+$0xFFFFFFC0] =	vst v6  }
0x6b: {  	v6 =	vld [tilespmem:s28+$0x1100];
	_ =	sdelay $0x4  }
0x6c: {  	v6 =	vnsel vm0, $0x0, v6  }
0x6d: {  	[tilespmem:s24+$0x0] =	vst v6  }
0x6e: {  	v6 =	vld [tilespmem:s28+$0x1110];
	_ =	sdelay $0x4  }
0x6f: {  	v6 =	vnsel vm1, $0x0, v6  }
0x70: {  	[tilespmem:s24+$0x10] =	vst v6  }
0x71: {  	v6 =	vld [tilespmem:s28+$0x1120];
	_ =	sdelay $0x4  }
0x72: {  	v6 =	vnsel vm2, $0x0, v6  }
0x73: {  	[tilespmem:s24+$0x20] =	vst v6  }
0x74: {  	v6 =	vld [tilespmem:s28+$0x1130];
	_ =	sdelay $0x4  }
0x75: {  	v6 =	vnsel vm3, $0x0, v6  }
0x76: {  	[tilespmem:s24+$0x30] =	vst v6  }
0x77: {  	v6 =	vld [tilespmem:s28+$0x1140]  }
.Ltmp0:
0x78: {  	(pc) =	sbr.rel @p0 .LBB2_3-.Ltmp0, $2  }
0x79: {  	_ =	sdelay $0x2  }
0x7a: {  	s28 =	smov.u32 s26;
	v6 =	vnsel vm4, $0x0, v6  }
0x7b: {  	_ =	sdelay $0x2  }
0x7c: {  	s25 =	sshra.s32 s25, $0x2;
	[tilespmem:s24+$0x40] =	vst v6  }
0x7d: {  	v5 =	vld.idx.msk [tilespmem:v5+s25+$0x0 ss:$0x1], $0xffff;
	_ =	sdelay $0x4  }
0x7e: {  	(v2sf) =	vpush v5, $0x0;
	_ =	sdelay $0xd  }
0x7f: {  	s25 =	sadd.s32 s25, s20  }
0x80: {  	v5 =	vld.msk [tilespmem:s25+$0x20 ss:$0x0], $0xffff;
	s30 =	spop (v2sf)  }
0x81: {  	v6 =	vld [tilespmem:s30+$0x0];
	_ =	sdelay $0x3  }
0x82: {  	vm0 =	vgt.s32 v5, v0  }
0x83: {  	s31 =	sadd.s32 $0x100, s24;
	v6 =	vnsel vm0, $0x0, v6  }
0x84: {  	[tilespmem:s31+$0xFFFFFF80] =	vst v6  }
0x85: {  	v6 =	vld [tilespmem:s30+$0x10];
	_ =	sdelay $0x3  }
0x86: {  	vm1 =	vgt.s32 v5, v1  }
0x87: {  	v6 =	vnsel vm1, $0x0, v6  }
0x88: {  	[tilespmem:s31+$0xFFFFFF90] =	vst v6  }
0x89: {  	v6 =	vld [tilespmem:s30+$0x20];
	_ =	sdelay $0x3  }
0x8a: {  	vm2 =	vgt.s32 v5, v2  }
0x8b: {  	v6 =	vnsel vm2, $0x0, v6  }
0x8c: {  	[tilespmem:s31+$0xFFFFFFA0] =	vst v6  }
0x8d: {  	v6 =	vld [tilespmem:s30+$0x30];
	_ =	sdelay $0x3  }
0x8e: {  	vm3 =	vgt.s32 v5, v3  }
0x8f: {  	v6 =	vnsel vm3, $0x0, v6  }
0x90: {  	[tilespmem:s31+$0xFFFFFFB0] =	vst v6  }
0x91: {  	v6 =	vld [tilespmem:s30+$0x40];
	_ =	sdelay $0x3  }
0x92: {  	vm4 =	vgt.s32 v5, v4  }
0x93: {  	v5 =	vnsel vm4, $0x0, v6  }
0x94: {  	[tilespmem:s31+$0xFFFFFFC0] =	vst v5  }
0x95: {  	v5 =	vld [tilespmem:s30+$0x1100];
	_ =	sdelay $0x4  }
0x96: {  	v5 =	vnsel vm0, $0x0, v5  }
0x97: {  	[tilespmem:s31+$0x0] =	vst v5  }
0x98: {  	v5 =	vld [tilespmem:s30+$0x1110];
	_ =	sdelay $0x4  }
0x99: {  	v5 =	vnsel vm1, $0x0, v5  }
0x9a: {  	[tilespmem:s31+$0x10] =	vst v5  }
0x9b: {  	v5 =	vld [tilespmem:s30+$0x1120];
	_ =	sdelay $0x4  }
0x9c: {  	v5 =	vnsel vm2, $0x0, v5  }
0x9d: {  	[tilespmem:s31+$0x20] =	vst v5  }
0x9e: {  	v5 =	vld [tilespmem:s30+$0x1130];
	_ =	sdelay $0x4  }
0x9f: {  	v5 =	vnsel vm3, $0x0, v5  }
0xa0: {  	[tilespmem:s31+$0x30] =	vst v5  }
0xa1: {  	v5 =	vld [tilespmem:s30+$0x1140];
	_ =	sdelay $0x4  }
0xa2: {  	v5 =	vnsel vm4, $0x0, v5  }
0xa3: {  	p0 =	seq.s32 s22, $0x7;
	[tilespmem:s31+$0x40] =	vst v5  }
0xa4: {  	v5 =	vld @!p0 [tilespmem:s23+$0x2290];
	_ =	sdelay $0x4  }
0xa5: {  	(v2sf) =	vpush @!p0 v5, $0x0;
	_ =	sdelay $0xe  }
0xa6: {  	s24 =	spop @!p0 (v2sf)  }
0xa7: {  	s24 =	sshrl.u32 @!p0 s24, $0x3  }
0xa8: {  	s26 =	simm.s32 @!p0 $0x0;
	s25 =	sadd.s32 @!p0 s2, s24  }
0xa9: {  	[tilespmem:s26], [sflag:$0x1] =	stream.linear.gather @!p0 [hbm4b:s25+s26], $0x830, $0x38;
	[tilespmem:$0x6700] =	vst v63  }
0xaa: {  	s24 =	sadd.s32 @!p0 s4, s24;
	s25 =	simm.s32 @!p0 $0x1100  }
0xab: {  	[tilespmem:s25], [sflag:$0x1] =	stream.linear.gather @!p0 [hbm4b:s24+s26], $0x830, $0x38;
	[tilespmem:$0x6700] =	vst v63  }
0xac: {  	v5 =	vld [tilespmem:s23+$0x2200];
	_ =	sdelay $0x4  }
0xad: {  	(v2sf) =	vpush v5, $0x1;
	_ =	sdelay $0xe  }
0xae: {  	s26 =	spop (v2sf)  }
0xaf: {  	s24 =	sshrl.u32 s26, $0x3  }
0xb0: {  	s24 =	sadd.s32 s5, s24  }
0xb1: {  	[hbm4b:s24+s3] =	stream.linear.scatter [tilespmem:s14], [sflag:$0x3], $0x2000, $0x38;
	[tilespmem:$0x6700] =	vst v63  }
0xb2: {  	_ =	swait.ge [sflag:s15], $0x830  }
0xb3: {  	[sflag:s15] =	ssyncset.done $0x0  }
0xb4: {  	[sflag:s15] =	ssyncadd.s32 $0xFFFFF7D0  }
0xb5: {  	_ =	swait.ge [sflag:s15], $0x830  }
0xb6: {  	v5 =	vmov s21;
	[sflag:s15] =	ssyncset.done $0x0  }
0xb7: {  	s24 =	simm.s32 @!p1 $0x4;
	[sflag:s15] =	ssyncadd.s32 $0xFFFFF7D0  }
0xb8: {  	_ =	swait.ge @!p1 [sflag:s24], $0x2000  }
0xb9: {  	[sflag:s24] =	ssyncset.done @!p1 $0x0  }
0xba: {  	s29 =	simm.s32 $0x0;
	[sflag:s24] =	ssyncadd.s32 @!p1 $0xFFFFE000  }
0xbb: {  	v6 =	vld.idx.msk [tilespmem:v5+s29+$0x0 ss:$0x1], $0xffff;
	_ =	sdelay $0x4  }
0xbc: {  	(v2sf) =	vpush v6, $0x0;
	_ =	sdelay $0xd  }
0xbd: {  	s30 =	sadd.s32 $0x0, s21  }
0xbe: {  	v6 =	vld.msk [tilespmem:s30+$0x20 ss:$0x0], $0xffff;
	s31 =	spop (v2sf)  }
0xbf: {  	v7 =	vld [tilespmem:s31+$0x880];
	_ =	sdelay $0x3  }
0xc0: {  	vm11 =	vgt.s32 v6, v0  }
0xc1: {  	s24 =	simm.s32 $0x4780;
	v7 =	vnsel vm11, $0x0, v7  }
0xc2: {  	[tilespmem:s24+$0xFFFFFF80] =	vst v7  }
0xc3: {  	v7 =	vld [tilespmem:s31+$0x890];
	_ =	sdelay $0x3  }
0xc4: {  	vm12 =	vgt.s32 v6, v1  }
0xc5: {  	v7 =	vnsel vm12, $0x0, v7  }
0xc6: {  	[tilespmem:s24+$0xFFFFFF90] =	vst v7  }
0xc7: {  	v7 =	vld [tilespmem:s31+$0x8A0];
	_ =	sdelay $0x3  }
0xc8: {  	vm13 =	vgt.s32 v6, v2  }
0xc9: {  	v7 =	vnsel vm13, $0x0, v7  }
0xca: {  	[tilespmem:s24+$0xFFFFFFA0] =	vst v7  }
0xcb: {  	v7 =	vld [tilespmem:s31+$0x8B0];
	_ =	sdelay $0x3  }
0xcc: {  	vm14 =	vgt.s32 v6, v3  }
0xcd: {  	v7 =	vnsel vm14, $0x0, v7  }
0xce: {  	[tilespmem:s24+$0xFFFFFFB0] =	vst v7  }
0xcf: {  	v7 =	vld [tilespmem:s31+$0x8C0];
	_ =	sdelay $0x3  }
0xd0: {  	vm15 =	vgt.s32 v6, v4  }
0xd1: {  	v6 =	vnsel vm15, $0x0, v7  }
0xd2: {  	[tilespmem:s24+$0xFFFFFFC0] =	vst v6  }
0xd3: {  	v6 =	vld [tilespmem:s31+$0x1980];
	_ =	sdelay $0x4  }
0xd4: {  	v6 =	vnsel vm11, $0x0, v6  }
0xd5: {  	[tilespmem:s24+$0x0] =	vst v6  }
0xd6: {  	v6 =	vld [tilespmem:s31+$0x1990];
	_ =	sdelay $0x4  }
0xd7: {  	v6 =	vnsel vm12, $0x0, v6  }
0xd8: {  	[tilespmem:s24+$0x10] =	vst v6  }
0xd9: {  	v6 =	vld [tilespmem:s31+$0x19A0];
	_ =	sdelay $0x4  }
0xda: {  	v6 =	vnsel vm13, $0x0, v6  }
0xdb: {  	[tilespmem:s24+$0x20] =	vst v6  }
0xdc: {  	v6 =	vld [tilespmem:s31+$0x19B0];
	_ =	sdelay $0x4  }
0xdd: {  	v6 =	vnsel vm14, $0x0, v6  }
0xde: {  	[tilespmem:s24+$0x30] =	vst v6  }
0xdf: {  	v6 =	vld [tilespmem:s31+$0x19C0];
	_ =	sdelay $0x4  }
0xe0: {  	s28 =	simm.s32 $0x8;
	s25 =	simm.s32 $0x4;
	v6 =	vnsel vm15, $0x0, v6  }
.LBB2_5:
0xe1: {  	s29 =	sshra.s32 s25, $0x2  }
0xe2: {  	[tilespmem:s24+$0x40] =	vst v6;
	s24 =	sadd.s32 $0x100, s24;
	s25 =	smov.u32 s28;
	s26 =	sadd.s32 $0x4, s28  }
0xe3: {  	p1 =	sne.s32 s28, $0x7C;
	s28 =	sadd.s32 s29, s21;
	v6 =	vld.idx.msk [tilespmem:v5+s29+$0x0 ss:$0x1], $0xffff;
	_ =	sdelay $0x5  }
0xe4: {  	(v2sf) =	vpush v6, $0x0;
	_ =	sdelay $0xd  }
0xe5: {  	v6 =	vld.msk [tilespmem:s28+$0x20 ss:$0x0], $0xffff  }
0xe6: {  	s28 =	spop (v2sf)  }
0xe7: {  	v7 =	vld [tilespmem:s28+$0x880];
	_ =	sdelay $0x3  }
0xe8: {  	vm0 =	vgt.s32 v6, v0  }
0xe9: {  	v7 =	vnsel vm0, $0x0, v7  }
0xea: {  	[tilespmem:s24+$0xFFFFFF80] =	vst v7  }
0xeb: {  	v7 =	vld [tilespmem:s28+$0x890];
	_ =	sdelay $0x3  }
0xec: {  	vm1 =	vgt.s32 v6, v1  }
0xed: {  	v7 =	vnsel vm1, $0x0, v7  }
0xee: {  	[tilespmem:s24+$0xFFFFFF90] =	vst v7  }
0xef: {  	v7 =	vld [tilespmem:s28+$0x8A0];
	_ =	sdelay $0x3  }
0xf0: {  	vm2 =	vgt.s32 v6, v2  }
0xf1: {  	v7 =	vnsel vm2, $0x0, v7  }
0xf2: {  	[tilespmem:s24+$0xFFFFFFA0] =	vst v7  }
0xf3: {  	v7 =	vld [tilespmem:s28+$0x8B0];
	_ =	sdelay $0x3  }
0xf4: {  	vm3 =	vgt.s32 v6, v3  }
0xf5: {  	v7 =	vnsel vm3, $0x0, v7  }
0xf6: {  	[tilespmem:s24+$0xFFFFFFB0] =	vst v7  }
0xf7: {  	v7 =	vld [tilespmem:s28+$0x8C0];
	_ =	sdelay $0x3  }
0xf8: {  	vm4 =	vgt.s32 v6, v4  }
0xf9: {  	v6 =	vnsel vm4, $0x0, v7  }
0xfa: {  	[tilespmem:s24+$0xFFFFFFC0] =	vst v6  }
0xfb: {  	v6 =	vld [tilespmem:s28+$0x1980];
	_ =	sdelay $0x4  }
0xfc: {  	v6 =	vnsel vm0, $0x0, v6  }
0xfd: {  	[tilespmem:s24+$0x0] =	vst v6  }
0xfe: {  	v6 =	vld [tilespmem:s28+$0x1990];
	_ =	sdelay $0x4  }
0xff: {  	v6 =	vnsel vm1, $0x0, v6  }
0x100: {  	[tilespmem:s24+$0x10] =	vst v6  }
0x101: {  	v6 =	vld [tilespmem:s28+$0x19A0];
	_ =	sdelay $0x4  }
0x102: {  	v6 =	vnsel vm2, $0x0, v6  }
0x103: {  	[tilespmem:s24+$0x20] =	vst v6  }
0x104: {  	v6 =	vld [tilespmem:s28+$0x19B0];
	_ =	sdelay $0x4  }
0x105: {  	v6 =	vnsel vm3, $0x0, v6  }
0x106: {  	[tilespmem:s24+$0x30] =	vst v6  }
0x107: {  	v6 =	vld [tilespmem:s28+$0x19C0]  }
.Ltmp1:
0x108: {  	(pc) =	sbr.rel @p1 .LBB2_5-.Ltmp1, $2  }
0x109: {  	_ =	sdelay $0x2  }
0x10a: {  	s28 =	smov.u32 s26;
	v6 =	vnsel vm4, $0x0, v6  }
0x10b: {  	_ =	sdelay $0x2  }
0x10c: {  	s25 =	sshra.s32 s25, $0x2;
	[tilespmem:s24+$0x40] =	vst v6  }
0x10d: {  	v5 =	vld.idx.msk [tilespmem:v5+s25+$0x0 ss:$0x1], $0xffff;
	_ =	sdelay $0x4  }
0x10e: {  	(v2sf) =	vpush v5, $0x0;
	_ =	sdelay $0xd  }
0x10f: {  	s25 =	sadd.s32 s25, s21  }
0x110: {  	v5 =	vld.msk [tilespmem:s25+$0x20 ss:$0x0], $0xffff;
	s29 =	spop (v2sf)  }
0x111: {  	v6 =	vld [tilespmem:s29+$0x880];
	_ =	sdelay $0x3  }
0x112: {  	vm0 =	vgt.s32 v5, v0  }
0x113: {  	s30 =	sadd.s32 $0x100, s24;
	v6 =	vnsel vm0, $0x0, v6  }
0x114: {  	[tilespmem:s30+$0xFFFFFF80] =	vst v6  }
0x115: {  	v6 =	vld [tilespmem:s29+$0x890];
	_ =	sdelay $0x3  }
0x116: {  	vm1 =	vgt.s32 v5, v1  }
0x117: {  	v6 =	vnsel vm1, $0x0, v6  }
0x118: {  	[tilespmem:s30+$0xFFFFFF90] =	vst v6  }
0x119: {  	v6 =	vld [tilespmem:s29+$0x8A0];
	_ =	sdelay $0x3  }
0x11a: {  	vm2 =	vgt.s32 v5, v2  }
0x11b: {  	v6 =	vnsel vm2, $0x0, v6  }
0x11c: {  	[tilespmem:s30+$0xFFFFFFA0] =	vst v6  }
0x11d: {  	v6 =	vld [tilespmem:s29+$0x8B0];
	_ =	sdelay $0x3  }
0x11e: {  	vm3 =	vgt.s32 v5, v3  }
0x11f: {  	v6 =	vnsel vm3, $0x0, v6  }
0x120: {  	[tilespmem:s30+$0xFFFFFFB0] =	vst v6  }
0x121: {  	v6 =	vld [tilespmem:s29+$0x8C0];
	_ =	sdelay $0x3  }
0x122: {  	vm4 =	vgt.s32 v5, v4  }
0x123: {  	v5 =	vnsel vm4, $0x0, v6  }
0x124: {  	[tilespmem:s30+$0xFFFFFFC0] =	vst v5  }
0x125: {  	v5 =	vld [tilespmem:s29+$0x1980];
	_ =	sdelay $0x4  }
0x126: {  	v5 =	vnsel vm0, $0x0, v5  }
0x127: {  	[tilespmem:s30+$0x0] =	vst v5  }
0x128: {  	v5 =	vld [tilespmem:s29+$0x1990];
	_ =	sdelay $0x4  }
0x129: {  	v5 =	vnsel vm1, $0x0, v5  }
0x12a: {  	[tilespmem:s30+$0x10] =	vst v5  }
0x12b: {  	v5 =	vld [tilespmem:s29+$0x19A0];
	_ =	sdelay $0x4  }
0x12c: {  	v5 =	vnsel vm2, $0x0, v5  }
0x12d: {  	[tilespmem:s30+$0x20] =	vst v5  }
0x12e: {  	v5 =	vld [tilespmem:s29+$0x19B0];
	_ =	sdelay $0x4  }
0x12f: {  	v5 =	vnsel vm3, $0x0, v5  }
0x130: {  	[tilespmem:s30+$0x30] =	vst v5  }
0x131: {  	v5 =	vld [tilespmem:s29+$0x19C0];
	_ =	sdelay $0x4  }
0x132: {  	v5 =	vnsel vm4, $0x0, v5  }
0x133: {  	[tilespmem:s30+$0x40] =	vst v5  }
0x134: {  	v5 =	vld @!p0 [tilespmem:s23+$0x22D8];
	_ =	sdelay $0x4  }
0x135: {  	(v2sf) =	vpush @!p0 v5, $0x0;
	_ =	sdelay $0xe  }
0x136: {  	s24 =	spop @!p0 (v2sf)  }
0x137: {  	s24 =	sshrl.u32 @!p0 s24, $0x3  }
0x138: {  	s26 =	simm.s32 @!p0 $0x0;
	s28 =	simm.s32 @!p0 $0x880;
	s25 =	sadd.s32 @!p0 s2, s24  }
0x139: {  	[tilespmem:s28], [sflag:$0x2] =	stream.linear.gather @!p0 [hbm4b:s25+s26], $0x830, $0x38;
	[tilespmem:$0x6700] =	vst v63  }
0x13a: {  	s24 =	sadd.s32 @!p0 s4, s24;
	s25 =	simm.s32 @!p0 $0x1980  }
0x13b: {  	[tilespmem:s25], [sflag:$0x2] =	stream.linear.gather @!p0 [hbm4b:s24+s26], $0x830, $0x38;
	[tilespmem:$0x6700] =	vst v63  }
0x13c: {  	v5 =	vld [tilespmem:s23+$0x2248];
	_ =	sdelay $0x4  }
0x13d: {  	(v2sf) =	vpush v5, $0x1;
	_ =	sdelay $0xb  }
0x13e: {  	s22 =	sadd.s32 $0x1, s22  }
0x13f: {  	p0 =	sne.s32 s22, $0x8  }
.Ltmp2:
0x140: {  	_ = 	snop;
	(pc) =	sbr.rel @p0 .LBB2_2-.Ltmp2, $4  }
0x141: {  	s31 =	spop (v2sf)  }
0x142: {  	s23 =	sshrl.u32 s31, $0x3  }
0x143: {  	s20 =	sadd.s32 $0x90, s20;
	s21 =	sadd.s32 $0x90, s21;
	s23 =	sadd.s32 s5, s23  }
0x144: {  	[hbm4b:s23+s3] =	stream.linear.scatter [tilespmem:s16], [sflag:$0x4], $0x2000, $0x38;
	[tilespmem:$0x6700] =	vst v63  }
0x145: {  	s19 =	sadd.s32 $0x1, s19  }
0x146: {  	_ =	swait.ge [sflag:s17], $0x2000;
	p0 =	sne.s32 s19, s7  }
.Ltmp3:
0x147: {  	[sflag:s17] =	ssyncset.done $0x0;
	(pc) =	sbr.rel @p0 .LBB2_1-.Ltmp3, $4  }
0x148: {  	[sflag:s17] =	ssyncadd.s32 $0xFFFFE000  }
0x149: {  	_ =	swait.ge [sflag:s18], $0x2000  }
0x14a: {  	[sflag:s18] =	ssyncset.done $0x0  }
0x14b: {  	[sflag:s18] =	ssyncadd.s32 $0xFFFFE000  }
0x14c: {  	_ =	sfence.sel $0x180000  }
0x14d: {  	[bflag:$0x0] =	sbarrier.arrive $0xFFFF  }
0x14e: {  	p0 =	sne.s32 s0, $0x0;
	_ =	strace $0x90000047  }
0x14f: {  	s0 =	sadd.s32 @!p0 $0x100000, s1;
	[bflag:$0x2] =	sbarrier.arrive $0xFFFF  }
0x150: {  	[sflag:s0] =	ssyncadd.tile.s32 @!p0 $0x1;
	_ =	shalt  }
.Lfunc_end2:
_tile_overlayer_lowered:
.L_overlay_start_2:
0x151: {  	(tag) =	ssettag $0x2  }
0x152: {  	s0 =	rddreg [dreg:$0x0];
	s2 =	stileid.u32  }
0x153: {  	s1 =	rddreg [dreg:$0x1];
	p0 =	sne.s32 s2, $0x0  }
0x154: {  	s3 =	rddreg [dreg:$0x2];
	[bflag:$0x3] =	sbarrier.arrive $0xFFFF;
	s2 =	simm.s32 @!p0 $0x1C05  }
0x155: {  	[timem:s3], [sflag:s2] =	dma.local @!p0 [hbm:s0], s1  }
0x156: {  	s0 =	simm.s32 @!p0 $0x5  }
0x157: {  	_ =	swait.ge @!p0 [sflag:s0], s1  }
0x158: {  	s1 =	ssub.s32 @!p0 $0x0, s1;
	[sflag:s0] =	ssyncset.done @!p0 $0x0  }
0x159: {  	[sflag:s0] =	ssyncadd.s32 @!p0 s1  }
0x15a: {  	[bflag:$0x3] =	sbarrier.arrive $0xFFFF  }
0x15b: {  	_ =	shalt  }

</sc_bundles>
